<compile_context>
chip_gen: v7x
topology: tpu7x:2x2x1
jax: 0.10.2.dev20260603
libtpu: 0.0.44.dev20260713+nightly
codegen_flags: <defaults>
</compile_context>

<pallas_src>
import functools

import jax
import jax.numpy as jnp
from jax import lax
from jax.experimental import pallas as pl
from jax.experimental.pallas import tpu as pltpu
from jax.experimental.pallas import tpu_sc as plsc

BATCH = 16384
LIST_LEN = 50
POSITIONS = 50
TABLE_PAD = 64

NC, NS, L = 2, 16, 16
NW = NC * NS
COLS_W = BATCH // NW
CCHUNK = 256
NCHUNK = COLS_W // CCHUNK
NSLOT = 2
WPR = CCHUNK // L


def _build():
    mesh = plsc.VectorSubcoreMesh(core_axis_name="c", subcore_axis_name="s")

    @functools.partial(
        pl.kernel,
        mesh=mesh,
        out_type=jax.ShapeDtypeStruct((LIST_LEN, BATCH), jnp.float32),
        compiler_params=pltpu.CompilerParams(needs_layout_passes=False),
        scratch_types=[
            pltpu.VMEM((TABLE_PAD,), jnp.float32),
            pltpu.VMEM((NSLOT, LIST_LEN, CCHUNK), jnp.int32),
            pltpu.VMEM((NSLOT, LIST_LEN, CCHUNK), jnp.float32),
            pltpu.SemaphoreType.DMA,
            pltpu.SemaphoreType.DMA,
            pltpu.SemaphoreType.DMA,
            pltpu.SemaphoreType.DMA,
        ],
    )
    def gather_kernel(
        pos_hbm, model_hbm, out_hbm, table_v, idx_v, vals_v,
        in_sem0, in_sem1, out_sem0, out_sem1,
    ):
        wid = lax.axis_index("s") * NC + lax.axis_index("c")
        col0 = wid * COLS_W
        in_sems = (in_sem0, in_sem1)
        out_sems = (out_sem0, out_sem1)

        def in_copy(ci, s):
            return pltpu.make_async_copy(
                pos_hbm.at[:, pl.ds(col0 + ci * CCHUNK, CCHUNK)],
                idx_v.at[s],
                in_sems[s],
            )

        def out_copy(ci, s):
            return pltpu.make_async_copy(
                vals_v.at[s],
                out_hbm.at[:, pl.ds(col0 + ci * CCHUNK, CCHUNK)],
                out_sems[s],
            )

        in_copy(0, 0).start()
        in_copy(1, 1).start()
        pltpu.sync_copy(model_hbm, table_v.at[pl.ds(0, POSITIONS)])

        for ci in range(NCHUNK):
            s = ci % NSLOT
            in_copy(ci, s).wait()
            if ci >= NSLOT:
                out_copy(ci - NSLOT, s).wait()

            src = idx_v.at[s]
            dst = vals_v.at[s]

            @plsc.parallel_loop(0, LIST_LEN, unroll=2)
            def _row(r):
                for k in range(WPR):
                    idx = src[r, pl.ds(k * L, L)]
                    dst[r, pl.ds(k * L, L)] = plsc.load_gather(table_v, [idx])

            if ci + NSLOT < NCHUNK:
                in_copy(ci + NSLOT, s).start()
            out_copy(ci, s).start()

        for ci in range(max(NCHUNK - NSLOT, 0), NCHUNK):
            out_copy(ci, ci % NSLOT).wait()

    return gather_kernel


_GATHER = _build()


@jax.jit
def kernel(position, model):
    out_t = _GATHER(position.T, model)
    return out_t.T

# --- scband reference (transcript-rebuilt; emitter-appended) ---
"""Pipeline reference for scband-pretrained-examination-model-65352222376622 (READ-ONLY COPY).

The authoritative reference and input builder live on the scoring server;
editing this copy changes nothing except your own understanding.
"""

import jax, jax.numpy as jnp
import numpy as np

POSITIONS = 50
BATCH = 16384
LIST_LEN = 50


def setup_inputs(seed: int = 0) -> dict:
    key = jax.random.key(seed)
    k1, k2 = jax.random.split(key)
    # indices into the propensity table, values in [0, POSITIONS)
    position = jax.random.randint(k1, (BATCH, LIST_LEN), 0, POSITIONS, dtype=jnp.int32)
    # learned/loaded propensity table (stand-in for CSV-loaded values):
    # original does model = zeros(positions).at[csv_positions].set(csv_propensities)
    model = jax.random.uniform(k2, (POSITIONS,), dtype=jnp.float32)
    return {"position": position, "model": model}


def reference(position, model):
    # faithful translation of __call__: self.model[batch['position']]
    return model[position]

if __name__ == "__main__":
    import jax
    _d = setup_inputs()
    print(jax.jit(kernel)(*tuple(_d.values())))

</pallas_src>

<mosaic_0001>
#map = affine_map<(d0, d1) -> (0, 0)>
#map1 = affine_map<(d0, d1) -> (0)>
module attributes {stable_mosaic.version = 14 : i64} {
  func.func @gather_kernel(%arg0: i32, %arg1: i32, %arg2: memref<50x16384xi32, #tpu.memory_space<hbm>>, %arg3: memref<50xf32, #tpu.memory_space<hbm>>, %arg4: memref<50x16384xf32, #tpu.memory_space<hbm>>, %arg5: memref<64xf32, #tpu.memory_space<vmem>>, %arg6: memref<2x50x256xi32, #tpu.memory_space<vmem>>, %arg7: memref<2x50x256xf32, #tpu.memory_space<vmem>>, %arg8: memref<!tpu.dma_semaphore, #tpu.memory_space<semaphore_mem>>, %arg9: memref<!tpu.dma_semaphore, #tpu.memory_space<semaphore_mem>>, %arg10: memref<!tpu.dma_semaphore, #tpu.memory_space<semaphore_mem>>, %arg11: memref<!tpu.dma_semaphore, #tpu.memory_space<semaphore_mem>>) attributes {dimension_semantics = [#tpu.dimension_semantics<core_parallel>, #tpu.dimension_semantics<subcore_parallel>], iteration_bounds = array<i64: 2, 16>, scalar_prefetch = 0 : i64, scratch_operands = 7 : i64, tpu.core_type = #tpu.core_type<sc_vector_subcore>, window_params = [{transform_indices = #map}, {transform_indices = #map1}, {transform_indices = #map}]} {
    %mul3A = arith.constant 2 : i32
    %mul3A_0 = arith.muli %arg1, %mul3A : i32
    %add3A = arith.addi %mul3A_0, %arg0 : i32
    %mul3A_1 = arith.constant 512 : i32
    %mul3A_2 = arith.muli %add3A, %mul3A_1 : i32
    %add3A_3 = arith.constant 0 : i32
    %add3A_4 = arith.addi %mul3A_2, %add3A_3 : i32
    %dma_start3A = arith.constant 0 : i32
    %dma_start3A_5 = arith.constant 0 : i32
    %dma_start3A_6 = arith.constant 0 : i32
    %dma_start3A_7 = tpu.memref_slice %arg6[%dma_start3A, %dma_start3A_5, %dma_start3A_6] : memref<2x50x256xi32, #tpu.memory_space<vmem>> -> memref<1x50x256xi32, #tpu.memory_space<vmem>>
    %dma_start3A_8 = tpu.memref_squeeze %dma_start3A_7 : memref<1x50x256xi32, #tpu.memory_space<vmem>> -> memref<50x256xi32, #tpu.memory_space<vmem>>
    %dma_start3A_9 = arith.constant 0 : i32
    %dma_start3A_10 = tpu.memref_slice %arg2[%dma_start3A_9, %add3A_4] : memref<50x16384xi32, #tpu.memory_space<hbm>> -> memref<50x256xi32, #tpu.memory_space<hbm>>
    %dma_start3A_11 = arith.constant 0 : i32
    %dma_start3A_12 = arith.constant 0 : i32
    %dma_start3A_13 = tpu.memref_slice %arg6[%dma_start3A, %dma_start3A_11, %dma_start3A_12] : memref<2x50x256xi32, #tpu.memory_space<vmem>> -> memref<1x50x256xi32, #tpu.memory_space<vmem>>
    %dma_start3A_14 = tpu.memref_squeeze %dma_start3A_13 : memref<1x50x256xi32, #tpu.memory_space<vmem>> -> memref<50x256xi32, #tpu.memory_space<vmem>>
    %dma_start3A_15 = arith.constant 0 : i32
    %dma_start3A_16 = tpu.memref_slice %arg2[%dma_start3A_15, %add3A_4] : memref<50x16384xi32, #tpu.memory_space<hbm>> -> memref<50x256xi32, #tpu.memory_space<hbm>>
    tpu.enqueue_dma source(%dma_start3A_16 : memref<50x256xi32, #tpu.memory_space<hbm>>) target(%dma_start3A_14 : memref<50x256xi32, #tpu.memory_space<vmem>>) target_semaphore(%arg8 : memref<!tpu.dma_semaphore, #tpu.memory_space<semaphore_mem>>)
    %add3A_17 = arith.constant 256 : i32
    %add3A_18 = arith.addi %mul3A_2, %add3A_17 : i32
    %dma_start3A_19 = arith.constant 1 : i32
    %dma_start3A_20 = arith.constant 0 : i32
    %dma_start3A_21 = arith.constant 0 : i32
    %dma_start3A_22 = tpu.memref_slice %arg6[%dma_start3A_19, %dma_start3A_20, %dma_start3A_21] : memref<2x50x256xi32, #tpu.memory_space<vmem>> -> memref<1x50x256xi32, #tpu.memory_space<vmem>>
    %dma_start3A_23 = tpu.memref_squeeze %dma_start3A_22 : memref<1x50x256xi32, #tpu.memory_space<vmem>> -> memref<50x256xi32, #tpu.memory_space<vmem>>
    %dma_start3A_24 = arith.constant 0 : i32
    %dma_start3A_25 = tpu.memref_slice %arg2[%dma_start3A_24, %add3A_18] : memref<50x16384xi32, #tpu.memory_space<hbm>> -> memref<50x256xi32, #tpu.memory_space<hbm>>
    %dma_start3A_26 = arith.constant 0 : i32
    %dma_start3A_27 = arith.constant 0 : i32
    %dma_start3A_28 = tpu.memref_slice %arg6[%dma_start3A_19, %dma_start3A_26, %dma_start3A_27] : memref<2x50x256xi32, #tpu.memory_space<vmem>> -> memref<1x50x256xi32, #tpu.memory_space<vmem>>
    %dma_start3A_29 = tpu.memref_squeeze %dma_start3A_28 : memref<1x50x256xi32, #tpu.memory_space<vmem>> -> memref<50x256xi32, #tpu.memory_space<vmem>>
    %dma_start3A_30 = arith.constant 0 : i32
    %dma_start3A_31 = tpu.memref_slice %arg2[%dma_start3A_30, %add3A_18] : memref<50x16384xi32, #tpu.memory_space<hbm>> -> memref<50x256xi32, #tpu.memory_space<hbm>>
    tpu.enqueue_dma source(%dma_start3A_31 : memref<50x256xi32, #tpu.memory_space<hbm>>) target(%dma_start3A_29 : memref<50x256xi32, #tpu.memory_space<vmem>>) target_semaphore(%arg9 : memref<!tpu.dma_semaphore, #tpu.memory_space<semaphore_mem>>)
    "tpu.region"() ({
      %run_scoped3A = tpu.sem_alloc : memref<!tpu.dma_semaphore, #tpu.memory_space<semaphore_mem>>
      %dma_start3A_130 = arith.constant 0 : i32
      %dma_start3A_131 = tpu.memref_slice %arg5[%dma_start3A_130] : memref<64xf32, #tpu.memory_space<vmem>> -> memref<50xf32, #tpu.memory_space<vmem>>
      %dma_start3A_132 = arith.constant 0 : i32
      %dma_start3A_133 = tpu.memref_slice %arg5[%dma_start3A_132] : memref<64xf32, #tpu.memory_space<vmem>> -> memref<50xf32, #tpu.memory_space<vmem>>
      tpu.enqueue_dma source(%arg3 : memref<50xf32, #tpu.memory_space<hbm>>) target(%dma_start3A_133 : memref<50xf32, #tpu.memory_space<vmem>>) target_semaphore(%run_scoped3A : memref<!tpu.dma_semaphore, #tpu.memory_space<semaphore_mem>>)
      %dma_wait3A_134 = arith.constant 0 : i32
      %dma_wait3A_135 = tpu.memref_slice %arg5[%dma_wait3A_134] : memref<64xf32, #tpu.memory_space<vmem>> -> memref<50xf32, #tpu.memory_space<vmem>>
      %dma_wait3A_136 = arith.constant 0 : i32
      %dma_wait3A_137 = tpu.memref_slice %arg5[%dma_wait3A_136] : memref<64xf32, #tpu.memory_space<vmem>> -> memref<50xf32, #tpu.memory_space<vmem>>
      tpu.wait_dma2 semaphore(%run_scoped3A : memref<!tpu.dma_semaphore, #tpu.memory_space<semaphore_mem>>) src(%arg3 : memref<50xf32, #tpu.memory_space<hbm>>) dst(%dma_wait3A_137 : memref<50xf32, #tpu.memory_space<vmem>>)
      tpu.yield
    }) : () -> ()
    %add3A_32 = arith.constant 0 : i32
    %add3A_33 = arith.addi %mul3A_2, %add3A_32 : i32
    %dma_wait3A = arith.constant 0 : i32
    %dma_wait3A_34 = arith.constant 0 : i32
    %dma_wait3A_35 = arith.constant 0 : i32
    %dma_wait3A_36 = tpu.memref_slice %arg6[%dma_wait3A, %dma_wait3A_34, %dma_wait3A_35] : memref<2x50x256xi32, #tpu.memory_space<vmem>> -> memref<1x50x256xi32, #tpu.memory_space<vmem>>
    %dma_wait3A_37 = tpu.memref_squeeze %dma_wait3A_36 : memref<1x50x256xi32, #tpu.memory_space<vmem>> -> memref<50x256xi32, #tpu.memory_space<vmem>>
    %dma_wait3A_38 = arith.constant 0 : i32
    %dma_wait3A_39 = tpu.memref_slice %arg2[%dma_wait3A_38, %add3A_33] : memref<50x16384xi32, #tpu.memory_space<hbm>> -> memref<50x256xi32, #tpu.memory_space<hbm>>
    %dma_wait3A_40 = arith.constant 0 : i32
    %dma_wait3A_41 = arith.constant 0 : i32
    %dma_wait3A_42 = tpu.memref_slice %arg6[%dma_wait3A, %dma_wait3A_40, %dma_wait3A_41] : memref<2x50x256xi32, #tpu.memory_space<vmem>> -> memref<1x50x256xi32, #tpu.memory_space<vmem>>
    %dma_wait3A_43 = tpu.memref_squeeze %dma_wait3A_42 : memref<1x50x256xi32, #tpu.memory_space<vmem>> -> memref<50x256xi32, #tpu.memory_space<vmem>>
    %dma_wait3A_44 = arith.constant 0 : i32
    %dma_wait3A_45 = tpu.memref_slice %arg2[%dma_wait3A_44, %add3A_33] : memref<50x16384xi32, #tpu.memory_space<hbm>> -> memref<50x256xi32, #tpu.memory_space<hbm>>
    tpu.wait_dma2 semaphore(%arg8 : memref<!tpu.dma_semaphore, #tpu.memory_space<semaphore_mem>>) src(%dma_wait3A_45 : memref<50x256xi32, #tpu.memory_space<hbm>>) dst(%dma_wait3A_43 : memref<50x256xi32, #tpu.memory_space<vmem>>)
    %parallel_loop3A = arith.constant 0 : i32
    %parallel_loop3A_46 = arith.constant 50 : i32
    %parallel_loop3A_47 = arith.constant 1 : i32
    %parallel_loop3A_48 = arith.constant 0 : i32
    %parallel_loop3A_49 = arith.constant 0 : i32
    scf.for %parallel_loop3A_130 = %parallel_loop3A to %parallel_loop3A_46 step %parallel_loop3A_47  : i32 {
      %parallel_loop3A_131 = arith.constant 0 : i32
      %parallel_loop3A_132 = arith.constant 0 : i32
      %parallel_loop3A_133 = tpu.memref_slice %arg6[%parallel_loop3A_48, %parallel_loop3A_131, %parallel_loop3A_132] : memref<2x50x256xi32, #tpu.memory_space<vmem>> -> memref<1x50x256xi32, #tpu.memory_space<vmem>>
      %parallel_loop3A_134 = tpu.memref_squeeze %parallel_loop3A_133 : memref<1x50x256xi32, #tpu.memory_space<vmem>> -> memref<50x256xi32, #tpu.memory_space<vmem>>
      %parallel_loop3A_135 = arith.index_cast %parallel_loop3A_130 : i32 to index
      %parallel_loop3A_136 = arith.constant 0 : index
      %parallel_loop3A_137 = tpu.vector_load %parallel_loop3A_134[%parallel_loop3A_135, %parallel_loop3A_136] {strides = array<i32>} : memref<50x256xi32, #tpu.memory_space<vmem>>, vector<16xi32>,
      %parallel_loop3A_138 = tpu.vector_load_idx %arg5[%parallel_loop3A_137] : memref<64xf32, #tpu.memory_space<vmem>>[vector<16xi32>], vector<16xf32>,
      %parallel_loop3A_139 = arith.constant 0 : i32
      %parallel_loop3A_140 = arith.constant 0 : i32
      %parallel_loop3A_141 = tpu.memref_slice %arg7[%parallel_loop3A_49, %parallel_loop3A_139, %parallel_loop3A_140] : memref<2x50x256xf32, #tpu.memory_space<vmem>> -> memref<1x50x256xf32, #tpu.memory_space<vmem>>
      %parallel_loop3A_142 = tpu.memref_squeeze %parallel_loop3A_141 : memref<1x50x256xf32, #tpu.memory_space<vmem>> -> memref<50x256xf32, #tpu.memory_space<vmem>>
      %parallel_loop3A_143 = arith.index_cast %parallel_loop3A_130 : i32 to index
      %parallel_loop3A_144 = arith.constant 0 : index
      %parallel_loop3A_145 = tpu.vector_load %parallel_loop3A_142[%parallel_loop3A_143, %parallel_loop3A_144] {strides = array<i32>} : memref<50x256xf32, #tpu.memory_space<vmem>>, vector<16xf32>,
      tpu.vector_store %parallel_loop3A_142[%parallel_loop3A_143, %parallel_loop3A_144], %parallel_loop3A_138 {strides = array<i32>} : memref<50x256xf32, #tpu.memory_space<vmem>>, vector<16xf32>,
      %parallel_loop3A_146 = arith.constant 0 : i32
      %parallel_loop3A_147 = arith.constant 0 : i32
      %parallel_loop3A_148 = tpu.memref_slice %arg6[%parallel_loop3A_48, %parallel_loop3A_146, %parallel_loop3A_147] : memref<2x50x256xi32, #tpu.memory_space<vmem>> -> memref<1x50x256xi32, #tpu.memory_space<vmem>>
      %parallel_loop3A_149 = tpu.memref_squeeze %parallel_loop3A_148 : memref<1x50x256xi32, #tpu.memory_space<vmem>> -> memref<50x256xi32, #tpu.memory_space<vmem>>
      %parallel_loop3A_150 = arith.index_cast %parallel_loop3A_130 : i32 to index
      %parallel_loop3A_151 = arith.constant 16 : index
      %parallel_loop3A_152 = tpu.vector_load %parallel_loop3A_149[%parallel_loop3A_150, %parallel_loop3A_151] {strides = array<i32>} : memref<50x256xi32, #tpu.memory_space<vmem>>, vector<16xi32>,
      %parallel_loop3A_153 = tpu.vector_load_idx %arg5[%parallel_loop3A_152] : memref<64xf32, #tpu.memory_space<vmem>>[vector<16xi32>], vector<16xf32>,
      %parallel_loop3A_154 = arith.constant 0 : i32
      %parallel_loop3A_155 = arith.constant 0 : i32
      %parallel_loop3A_156 = tpu.memref_slice %arg7[%parallel_loop3A_49, %parallel_loop3A_154, %parallel_loop3A_155] : memref<2x50x256xf32, #tpu.memory_space<vmem>> -> memref<1x50x256xf32, #tpu.memory_space<vmem>>
      %parallel_loop3A_157 = tpu.memref_squeeze %parallel_loop3A_156 : memref<1x50x256xf32, #tpu.memory_space<vmem>> -> memref<50x256xf32, #tpu.memory_space<vmem>>
      %parallel_loop3A_158 = arith.index_cast %parallel_loop3A_130 : i32 to index
      %parallel_loop3A_159 = arith.constant 16 : index
      %parallel_loop3A_160 = tpu.vector_load %parallel_loop3A_157[%parallel_loop3A_158, %parallel_loop3A_159] {strides = array<i32>} : memref<50x256xf32, #tpu.memory_space<vmem>>, vector<16xf32>,
      tpu.vector_store %parallel_loop3A_157[%parallel_loop3A_158, %parallel_loop3A_159], %parallel_loop3A_153 {strides = array<i32>} : memref<50x256xf32, #tpu.memory_space<vmem>>, vector<16xf32>,
      %parallel_loop3A_161 = arith.constant 0 : i32
      %parallel_loop3A_162 = arith.constant 0 : i32
      %parallel_loop3A_163 = tpu.memref_slice %arg6[%parallel_loop3A_48, %parallel_loop3A_161, %parallel_loop3A_162] : memref<2x50x256xi32, #tpu.memory_space<vmem>> -> memref<1x50x256xi32, #tpu.memory_space<vmem>>
      %parallel_loop3A_164 = tpu.memref_squeeze %parallel_loop3A_163 : memref<1x50x256xi32, #tpu.memory_space<vmem>> -> memref<50x256xi32, #tpu.memory_space<vmem>>
      %parallel_loop3A_165 = arith.index_cast %parallel_loop3A_130 : i32 to index
      %parallel_loop3A_166 = arith.constant 32 : index
      %parallel_loop3A_167 = tpu.vector_load %parallel_loop3A_164[%parallel_loop3A_165, %parallel_loop3A_166] {strides = array<i32>} : memref<50x256xi32, #tpu.memory_space<vmem>>, vector<16xi32>,
      %parallel_loop3A_168 = tpu.vector_load_idx %arg5[%parallel_loop3A_167] : memref<64xf32, #tpu.memory_space<vmem>>[vector<16xi32>], vector<16xf32>,
      %parallel_loop3A_169 = arith.constant 0 : i32
      %parallel_loop3A_170 = arith.constant 0 : i32
      %parallel_loop3A_171 = tpu.memref_slice %arg7[%parallel_loop3A_49, %parallel_loop3A_169, %parallel_loop3A_170] : memref<2x50x256xf32, #tpu.memory_space<vmem>> -> memref<1x50x256xf32, #tpu.memory_space<vmem>>
      %parallel_loop3A_172 = tpu.memref_squeeze %parallel_loop3A_171 : memref<1x50x256xf32, #tpu.memory_space<vmem>> -> memref<50x256xf32, #tpu.memory_space<vmem>>
      %parallel_loop3A_173 = arith.index_cast %parallel_loop3A_130 : i32 to index
      %parallel_loop3A_174 = arith.constant 32 : index
      %parallel_loop3A_175 = tpu.vector_load %parallel_loop3A_172[%parallel_loop3A_173, %parallel_loop3A_174] {strides = array<i32>} : memref<50x256xf32, #tpu.memory_space<vmem>>, vector<16xf32>,
      tpu.vector_store %parallel_loop3A_172[%parallel_loop3A_173, %parallel_loop3A_174], %parallel_loop3A_168 {strides = array<i32>} : memref<50x256xf32, #tpu.memory_space<vmem>>, vector<16xf32>,
      %parallel_loop3A_176 = arith.constant 0 : i32
      %parallel_loop3A_177 = arith.constant 0 : i32
      %parallel_loop3A_178 = tpu.memref_slice %arg6[%parallel_loop3A_48, %parallel_loop3A_176, %parallel_loop3A_177] : memref<2x50x256xi32, #tpu.memory_space<vmem>> -> memref<1x50x256xi32, #tpu.memory_space<vmem>>
      %parallel_loop3A_179 = tpu.memref_squeeze %parallel_loop3A_178 : memref<1x50x256xi32, #tpu.memory_space<vmem>> -> memref<50x256xi32, #tpu.memory_space<vmem>>
      %parallel_loop3A_180 = arith.index_cast %parallel_loop3A_130 : i32 to index
      %parallel_loop3A_181 = arith.constant 48 : index
      %parallel_loop3A_182 = tpu.vector_load %parallel_loop3A_179[%parallel_loop3A_180, %parallel_loop3A_181] {strides = array<i32>} : memref<50x256xi32, #tpu.memory_space<vmem>>, vector<16xi32>,
      %parallel_loop3A_183 = tpu.vector_load_idx %arg5[%parallel_loop3A_182] : memref<64xf32, #tpu.memory_space<vmem>>[vector<16xi32>], vector<16xf32>,
      %parallel_loop3A_184 = arith.constant 0 : i32
      %parallel_loop3A_185 = arith.constant 0 : i32
      %parallel_loop3A_186 = tpu.memref_slice %arg7[%parallel_loop3A_49, %parallel_loop3A_184, %parallel_loop3A_185] : memref<2x50x256xf32, #tpu.memory_space<vmem>> -> memref<1x50x256xf32, #tpu.memory_space<vmem>>
      %parallel_loop3A_187 = tpu.memref_squeeze %parallel_loop3A_186 : memref<1x50x256xf32, #tpu.memory_space<vmem>> -> memref<50x256xf32, #tpu.memory_space<vmem>>
      %parallel_loop3A_188 = arith.index_cast %parallel_loop3A_130 : i32 to index
      %parallel_loop3A_189 = arith.constant 48 : index
      %parallel_loop3A_190 = tpu.vector_load %parallel_loop3A_187[%parallel_loop3A_188, %parallel_loop3A_189] {strides = array<i32>} : memref<50x256xf32, #tpu.memory_space<vmem>>, vector<16xf32>,
      tpu.vector_store %parallel_loop3A_187[%parallel_loop3A_188, %parallel_loop3A_189], %parallel_loop3A_183 {strides = array<i32>} : memref<50x256xf32, #tpu.memory_space<vmem>>, vector<16xf32>,
      %parallel_loop3A_191 = arith.constant 0 : i32
      %parallel_loop3A_192 = arith.constant 0 : i32
      %parallel_loop3A_193 = tpu.memref_slice %arg6[%parallel_loop3A_48, %parallel_loop3A_191, %parallel_loop3A_192] : memref<2x50x256xi32, #tpu.memory_space<vmem>> -> memref<1x50x256xi32, #tpu.memory_space<vmem>>
      %parallel_loop3A_194 = tpu.memref_squeeze %parallel_loop3A_193 : memref<1x50x256xi32, #tpu.memory_space<vmem>> -> memref<50x256xi32, #tpu.memory_space<vmem>>
      %parallel_loop3A_195 = arith.index_cast %parallel_loop3A_130 : i32 to index
      %parallel_loop3A_196 = arith.constant 64 : index
      %parallel_loop3A_197 = tpu.vector_load %parallel_loop3A_194[%parallel_loop3A_195, %parallel_loop3A_196] {strides = array<i32>} : memref<50x256xi32, #tpu.memory_space<vmem>>, vector<16xi32>,
      %parallel_loop3A_198 = tpu.vector_load_idx %arg5[%parallel_loop3A_197] : memref<64xf32, #tpu.memory_space<vmem>>[vector<16xi32>], vector<16xf32>,
      %parallel_loop3A_199 = arith.constant 0 : i32
      %parallel_loop3A_200 = arith.constant 0 : i32
      %parallel_loop3A_201 = tpu.memref_slice %arg7[%parallel_loop3A_49, %parallel_loop3A_199, %parallel_loop3A_200] : memref<2x50x256xf32, #tpu.memory_space<vmem>> -> memref<1x50x256xf32, #tpu.memory_space<vmem>>
      %parallel_loop3A_202 = tpu.memref_squeeze %parallel_loop3A_201 : memref<1x50x256xf32, #tpu.memory_space<vmem>> -> memref<50x256xf32, #tpu.memory_space<vmem>>
      %parallel_loop3A_203 = arith.index_cast %parallel_loop3A_130 : i32 to index
      %parallel_loop3A_204 = arith.constant 64 : index
      %parallel_loop3A_205 = tpu.vector_load %parallel_loop3A_202[%parallel_loop3A_203, %parallel_loop3A_204] {strides = array<i32>} : memref<50x256xf32, #tpu.memory_space<vmem>>, vector<16xf32>,
      tpu.vector_store %parallel_loop3A_202[%parallel_loop3A_203, %parallel_loop3A_204], %parallel_loop3A_198 {strides = array<i32>} : memref<50x256xf32, #tpu.memory_space<vmem>>, vector<16xf32>,
      %parallel_loop3A_206 = arith.constant 0 : i32
      %parallel_loop3A_207 = arith.constant 0 : i32
      %parallel_loop3A_208 = tpu.memref_slice %arg6[%parallel_loop3A_48, %parallel_loop3A_206, %parallel_loop3A_207] : memref<2x50x256xi32, #tpu.memory_space<vmem>> -> memref<1x50x256xi32, #tpu.memory_space<vmem>>
      %parallel_loop3A_209 = tpu.memref_squeeze %parallel_loop3A_208 : memref<1x50x256xi32, #tpu.memory_space<vmem>> -> memref<50x256xi32, #tpu.memory_space<vmem>>
      %parallel_loop3A_210 = arith.index_cast %parallel_loop3A_130 : i32 to index
      %parallel_loop3A_211 = arith.constant 80 : index
      %parallel_loop3A_212 = tpu.vector_load %parallel_loop3A_209[%parallel_loop3A_210, %parallel_loop3A_211] {strides = array<i32>} : memref<50x256xi32, #tpu.memory_space<vmem>>, vector<16xi32>,
      %parallel_loop3A_213 = tpu.vector_load_idx %arg5[%parallel_loop3A_212] : memref<64xf32, #tpu.memory_space<vmem>>[vector<16xi32>], vector<16xf32>,
      %parallel_loop3A_214 = arith.constant 0 : i32
      %parallel_loop3A_215 = arith.constant 0 : i32
      %parallel_loop3A_216 = tpu.memref_slice %arg7[%parallel_loop3A_49, %parallel_loop3A_214, %parallel_loop3A_215] : memref<2x50x256xf32, #tpu.memory_space<vmem>> -> memref<1x50x256xf32, #tpu.memory_space<vmem>>
      %parallel_loop3A_217 = tpu.memref_squeeze %parallel_loop3A_216 : memref<1x50x256xf32, #tpu.memory_space<vmem>> -> memref<50x256xf32, #tpu.memory_space<vmem>>
      %parallel_loop3A_218 = arith.index_cast %parallel_loop3A_130 : i32 to index
      %parallel_loop3A_219 = arith.constant 80 : index
      %parallel_loop3A_220 = tpu.vector_load %parallel_loop3A_217[%parallel_loop3A_218, %parallel_loop3A_219] {strides = array<i32>} : memref<50x256xf32, #tpu.memory_space<vmem>>, vector<16xf32>,
      tpu.vector_store %parallel_loop3A_217[%parallel_loop3A_218, %parallel_loop3A_219], %parallel_loop3A_213 {strides = array<i32>} : memref<50x256xf32, #tpu.memory_space<vmem>>, vector<16xf32>,
      %parallel_loop3A_221 = arith.constant 0 : i32
      %parallel_loop3A_222 = arith.constant 0 : i32
      %parallel_loop3A_223 = tpu.memref_slice %arg6[%parallel_loop3A_48, %parallel_loop3A_221, %parallel_loop3A_222] : memref<2x50x256xi32, #tpu.memory_space<vmem>> -> memref<1x50x256xi32, #tpu.memory_space<vmem>>
      %parallel_loop3A_224 = tpu.memref_squeeze %parallel_loop3A_223 : memref<1x50x256xi32, #tpu.memory_space<vmem>> -> memref<50x256xi32, #tpu.memory_space<vmem>>
      %parallel_loop3A_225 = arith.index_cast %parallel_loop3A_130 : i32 to index
      %parallel_loop3A_226 = arith.constant 96 : index
      %parallel_loop3A_227 = tpu.vector_load %parallel_loop3A_224[%parallel_loop3A_225, %parallel_loop3A_226] {strides = array<i32>} : memref<50x256xi32, #tpu.memory_space<vmem>>, vector<16xi32>,
      %parallel_loop3A_228 = tpu.vector_load_idx %arg5[%parallel_loop3A_227] : memref<64xf32, #tpu.memory_space<vmem>>[vector<16xi32>], vector<16xf32>,
      %parallel_loop3A_229 = arith.constant 0 : i32
      %parallel_loop3A_230 = arith.constant 0 : i32
      %parallel_loop3A_231 = tpu.memref_slice %arg7[%parallel_loop3A_49, %parallel_loop3A_229, %parallel_loop3A_230] : memref<2x50x256xf32, #tpu.memory_space<vmem>> -> memref<1x50x256xf32, #tpu.memory_space<vmem>>
      %parallel_loop3A_232 = tpu.memref_squeeze %parallel_loop3A_231 : memref<1x50x256xf32, #tpu.memory_space<vmem>> -> memref<50x256xf32, #tpu.memory_space<vmem>>
      %parallel_loop3A_233 = arith.index_cast %parallel_loop3A_130 : i32 to index
      %parallel_loop3A_234 = arith.constant 96 : index
      %parallel_loop3A_235 = tpu.vector_load %parallel_loop3A_232[%parallel_loop3A_233, %parallel_loop3A_234] {strides = array<i32>} : memref<50x256xf32, #tpu.memory_space<vmem>>, vector<16xf32>,
      tpu.vector_store %parallel_loop3A_232[%parallel_loop3A_233, %parallel_loop3A_234], %parallel_loop3A_228 {strides = array<i32>} : memref<50x256xf32, #tpu.memory_space<vmem>>, vector<16xf32>,
      %parallel_loop3A_236 = arith.constant 0 : i32
      %parallel_loop3A_237 = arith.constant 0 : i32
      %parallel_loop3A_238 = tpu.memref_slice %arg6[%parallel_loop3A_48, %parallel_loop3A_236, %parallel_loop3A_237] : memref<2x50x256xi32, #tpu.memory_space<vmem>> -> memref<1x50x256xi32, #tpu.memory_space<vmem>>
      %parallel_loop3A_239 = tpu.memref_squeeze %parallel_loop3A_238 : memref<1x50x256xi32, #tpu.memory_space<vmem>> -> memref<50x256xi32, #tpu.memory_space<vmem>>
      %parallel_loop3A_240 = arith.index_cast %parallel_loop3A_130 : i32 to index
      %parallel_loop3A_241 = arith.constant 112 : index
      %parallel_loop3A_242 = tpu.vector_load %parallel_loop3A_239[%parallel_loop3A_240, %parallel_loop3A_241] {strides = array<i32>} : memref<50x256xi32, #tpu.memory_space<vmem>>, vector<16xi32>,
      %parallel_loop3A_243 = tpu.vector_load_idx %arg5[%parallel_loop3A_242] : memref<64xf32, #tpu.memory_space<vmem>>[vector<16xi32>], vector<16xf32>,
      %parallel_loop3A_244 = arith.constant 0 : i32
      %parallel_loop3A_245 = arith.constant 0 : i32
      %parallel_loop3A_246 = tpu.memref_slice %arg7[%parallel_loop3A_49, %parallel_loop3A_244, %parallel_loop3A_245] : memref<2x50x256xf32, #tpu.memory_space<vmem>> -> memref<1x50x256xf32, #tpu.memory_space<vmem>>
      %parallel_loop3A_247 = tpu.memref_squeeze %parallel_loop3A_246 : memref<1x50x256xf32, #tpu.memory_space<vmem>> -> memref<50x256xf32, #tpu.memory_space<vmem>>
      %parallel_loop3A_248 = arith.index_cast %parallel_loop3A_130 : i32 to index
      %parallel_loop3A_249 = arith.constant 112 : index
      %parallel_loop3A_250 = tpu.vector_load %parallel_loop3A_247[%parallel_loop3A_248, %parallel_loop3A_249] {strides = array<i32>} : memref<50x256xf32, #tpu.memory_space<vmem>>, vector<16xf32>,
      tpu.vector_store %parallel_loop3A_247[%parallel_loop3A_248, %parallel_loop3A_249], %parallel_loop3A_243 {strides = array<i32>} : memref<50x256xf32, #tpu.memory_space<vmem>>, vector<16xf32>,
      %parallel_loop3A_251 = arith.constant 0 : i32
      %parallel_loop3A_252 = arith.constant 0 : i32
      %parallel_loop3A_253 = tpu.memref_slice %arg6[%parallel_loop3A_48, %parallel_loop3A_251, %parallel_loop3A_252] : memref<2x50x256xi32, #tpu.memory_space<vmem>> -> memref<1x50x256xi32, #tpu.memory_space<vmem>>
      %parallel_loop3A_254 = tpu.memref_squeeze %parallel_loop3A_253 : memref<1x50x256xi32, #tpu.memory_space<vmem>> -> memref<50x256xi32, #tpu.memory_space<vmem>>
      %parallel_loop3A_255 = arith.index_cast %parallel_loop3A_130 : i32 to index
      %parallel_loop3A_256 = arith.constant 128 : index
      %parallel_loop3A_257 = tpu.vector_load %parallel_loop3A_254[%parallel_loop3A_255, %parallel_loop3A_256] {strides = array<i32>} : memref<50x256xi32, #tpu.memory_space<vmem>>, vector<16xi32>,
      %parallel_loop3A_258 = tpu.vector_load_idx %arg5[%parallel_loop3A_257] : memref<64xf32, #tpu.memory_space<vmem>>[vector<16xi32>], vector<16xf32>,
      %parallel_loop3A_259 = arith.constant 0 : i32
      %parallel_loop3A_260 = arith.constant 0 : i32
      %parallel_loop3A_261 = tpu.memref_slice %arg7[%parallel_loop3A_49, %parallel_loop3A_259, %parallel_loop3A_260] : memref<2x50x256xf32, #tpu.memory_space<vmem>> -> memref<1x50x256xf32, #tpu.memory_space<vmem>>
      %parallel_loop3A_262 = tpu.memref_squeeze %parallel_loop3A_261 : memref<1x50x256xf32, #tpu.memory_space<vmem>> -> memref<50x256xf32, #tpu.memory_space<vmem>>
      %parallel_loop3A_263 = arith.index_cast %parallel_loop3A_130 : i32 to index
      %parallel_loop3A_264 = arith.constant 128 : index
      %parallel_loop3A_265 = tpu.vector_load %parallel_loop3A_262[%parallel_loop3A_263, %parallel_loop3A_264] {strides = array<i32>} : memref<50x256xf32, #tpu.memory_space<vmem>>, vector<16xf32>,
      tpu.vector_store %parallel_loop3A_262[%parallel_loop3A_263, %parallel_loop3A_264], %parallel_loop3A_258 {strides = array<i32>} : memref<50x256xf32, #tpu.memory_space<vmem>>, vector<16xf32>,
      %parallel_loop3A_266 = arith.constant 0 : i32
      %parallel_loop3A_267 = arith.constant 0 : i32
      %parallel_loop3A_268 = tpu.memref_slice %arg6[%parallel_loop3A_48, %parallel_loop3A_266, %parallel_loop3A_267] : memref<2x50x256xi32, #tpu.memory_space<vmem>> -> memref<1x50x256xi32, #tpu.memory_space<vmem>>
      %parallel_loop3A_269 = tpu.memref_squeeze %parallel_loop3A_268 : memref<1x50x256xi32, #tpu.memory_space<vmem>> -> memref<50x256xi32, #tpu.memory_space<vmem>>
      %parallel_loop3A_270 = arith.index_cast %parallel_loop3A_130 : i32 to index
      %parallel_loop3A_271 = arith.constant 144 : index
      %parallel_loop3A_272 = tpu.vector_load %parallel_loop3A_269[%parallel_loop3A_270, %parallel_loop3A_271] {strides = array<i32>} : memref<50x256xi32, #tpu.memory_space<vmem>>, vector<16xi32>,
      %parallel_loop3A_273 = tpu.vector_load_idx %arg5[%parallel_loop3A_272] : memref<64xf32, #tpu.memory_space<vmem>>[vector<16xi32>], vector<16xf32>,
      %parallel_loop3A_274 = arith.constant 0 : i32
      %parallel_loop3A_275 = arith.constant 0 : i32
      %parallel_loop3A_276 = tpu.memref_slice %arg7[%parallel_loop3A_49, %parallel_loop3A_274, %parallel_loop3A_275] : memref<2x50x256xf32, #tpu.memory_space<vmem>> -> memref<1x50x256xf32, #tpu.memory_space<vmem>>
      %parallel_loop3A_277 = tpu.memref_squeeze %parallel_loop3A_276 : memref<1x50x256xf32, #tpu.memory_space<vmem>> -> memref<50x256xf32, #tpu.memory_space<vmem>>
      %parallel_loop3A_278 = arith.index_cast %parallel_loop3A_130 : i32 to index
      %parallel_loop3A_279 = arith.constant 144 : index
      %parallel_loop3A_280 = tpu.vector_load %parallel_loop3A_277[%parallel_loop3A_278, %parallel_loop3A_279] {strides = array<i32>} : memref<50x256xf32, #tpu.memory_space<vmem>>, vector<16xf32>,
      tpu.vector_store %parallel_loop3A_277[%parallel_loop3A_278, %parallel_loop3A_279], %parallel_loop3A_273 {strides = array<i32>} : memref<50x256xf32, #tpu.memory_space<vmem>>, vector<16xf32>,
      %parallel_loop3A_281 = arith.constant 0 : i32
      %parallel_loop3A_282 = arith.constant 0 : i32
      %parallel_loop3A_283 = tpu.memref_slice %arg6[%parallel_loop3A_48, %parallel_loop3A_281, %parallel_loop3A_282] : memref<2x50x256xi32, #tpu.memory_space<vmem>> -> memref<1x50x256xi32, #tpu.memory_space<vmem>>
      %parallel_loop3A_284 = tpu.memref_squeeze %parallel_loop3A_283 : memref<1x50x256xi32, #tpu.memory_space<vmem>> -> memref<50x256xi32, #tpu.memory_space<vmem>>
      %parallel_loop3A_285 = arith.index_cast %parallel_loop3A_130 : i32 to index
      %parallel_loop3A_286 = arith.constant 160 : index
      %parallel_loop3A_287 = tpu.vector_load %parallel_loop3A_284[%parallel_loop3A_285, %parallel_loop3A_286] {strides = array<i32>} : memref<50x256xi32, #tpu.memory_space<vmem>>, vector<16xi32>,
      %parallel_loop3A_288 = tpu.vector_load_idx %arg5[%parallel_loop3A_287] : memref<64xf32, #tpu.memory_space<vmem>>[vector<16xi32>], vector<16xf32>,
      %parallel_loop3A_289 = arith.constant 0 : i32
      %parallel_loop3A_290 = arith.constant 0 : i32
      %parallel_loop3A_291 = tpu.memref_slice %arg7[%parallel_loop3A_49, %parallel_loop3A_289, %parallel_loop3A_290] : memref<2x50x256xf32, #tpu.memory_space<vmem>> -> memref<1x50x256xf32, #tpu.memory_space<vmem>>
      %parallel_loop3A_292 = tpu.memref_squeeze %parallel_loop3A_291 : memref<1x50x256xf32, #tpu.memory_space<vmem>> -> memref<50x256xf32, #tpu.memory_space<vmem>>
      %parallel_loop3A_293 = arith.index_cast %parallel_loop3A_130 : i32 to index
      %parallel_loop3A_294 = arith.constant 160 : index
      %parallel_loop3A_295 = tpu.vector_load %parallel_loop3A_292[%parallel_loop3A_293, %parallel_loop3A_294] {strides = array<i32>} : memref<50x256xf32, #tpu.memory_space<vmem>>, vector<16xf32>,
      tpu.vector_store %parallel_loop3A_292[%parallel_loop3A_293, %parallel_loop3A_294], %parallel_loop3A_288 {strides = array<i32>} : memref<50x256xf32, #tpu.memory_space<vmem>>, vector<16xf32>,
      %parallel_loop3A_296 = arith.constant 0 : i32
      %parallel_loop3A_297 = arith.constant 0 : i32
      %parallel_loop3A_298 = tpu.memref_slice %arg6[%parallel_loop3A_48, %parallel_loop3A_296, %parallel_loop3A_297] : memref<2x50x256xi32, #tpu.memory_space<vmem>> -> memref<1x50x256xi32, #tpu.memory_space<vmem>>
      %parallel_loop3A_299 = tpu.memref_squeeze %parallel_loop3A_298 : memref<1x50x256xi32, #tpu.memory_space<vmem>> -> memref<50x256xi32, #tpu.memory_space<vmem>>
      %parallel_loop3A_300 = arith.index_cast %parallel_loop3A_130 : i32 to index
      %parallel_loop3A_301 = arith.constant 176 : index
      %parallel_loop3A_302 = tpu.vector_load %parallel_loop3A_299[%parallel_loop3A_300, %parallel_loop3A_301] {strides = array<i32>} : memref<50x256xi32, #tpu.memory_space<vmem>>, vector<16xi32>,
      %parallel_loop3A_303 = tpu.vector_load_idx %arg5[%parallel_loop3A_302] : memref<64xf32, #tpu.memory_space<vmem>>[vector<16xi32>], vector<16xf32>,
      %parallel_loop3A_304 = arith.constant 0 : i32
      %parallel_loop3A_305 = arith.constant 0 : i32
      %parallel_loop3A_306 = tpu.memref_slice %arg7[%parallel_loop3A_49, %parallel_loop3A_304, %parallel_loop3A_305] : memref<2x50x256xf32, #tpu.memory_space<vmem>> -> memref<1x50x256xf32, #tpu.memory_space<vmem>>
      %parallel_loop3A_307 = tpu.memref_squeeze %parallel_loop3A_306 : memref<1x50x256xf32, #tpu.memory_space<vmem>> -> memref<50x256xf32, #tpu.memory_space<vmem>>
      %parallel_loop3A_308 = arith.index_cast %parallel_loop3A_130 : i32 to index
      %parallel_loop3A_309 = arith.constant 176 : index
      %parallel_loop3A_310 = tpu.vector_load %parallel_loop3A_307[%parallel_loop3A_308, %parallel_loop3A_309] {strides = array<i32>} : memref<50x256xf32, #tpu.memory_space<vmem>>, vector<16xf32>,
      tpu.vector_store %parallel_loop3A_307[%parallel_loop3A_308, %parallel_loop3A_309], %parallel_loop3A_303 {strides = array<i32>} : memref<50x256xf32, #tpu.memory_space<vmem>>, vector<16xf32>,
      %parallel_loop3A_311 = arith.constant 0 : i32
      %parallel_loop3A_312 = arith.constant 0 : i32
      %parallel_loop3A_313 = tpu.memref_slice %arg6[%parallel_loop3A_48, %parallel_loop3A_311, %parallel_loop3A_312] : memref<2x50x256xi32, #tpu.memory_space<vmem>> -> memref<1x50x256xi32, #tpu.memory_space<vmem>>
      %parallel_loop3A_314 = tpu.memref_squeeze %parallel_loop3A_313 : memref<1x50x256xi32, #tpu.memory_space<vmem>> -> memref<50x256xi32, #tpu.memory_space<vmem>>
      %parallel_loop3A_315 = arith.index_cast %parallel_loop3A_130 : i32 to index
      %parallel_loop3A_316 = arith.constant 192 : index
      %parallel_loop3A_317 = tpu.vector_load %parallel_loop3A_314[%parallel_loop3A_315, %parallel_loop3A_316] {strides = array<i32>} : memref<50x256xi32, #tpu.memory_space<vmem>>, vector<16xi32>,
      %parallel_loop3A_318 = tpu.vector_load_idx %arg5[%parallel_loop3A_317] : memref<64xf32, #tpu.memory_space<vmem>>[vector<16xi32>], vector<16xf32>,
      %parallel_loop3A_319 = arith.constant 0 : i32
      %parallel_loop3A_320 = arith.constant 0 : i32
      %parallel_loop3A_321 = tpu.memref_slice %arg7[%parallel_loop3A_49, %parallel_loop3A_319, %parallel_loop3A_320] : memref<2x50x256xf32, #tpu.memory_space<vmem>> -> memref<1x50x256xf32, #tpu.memory_space<vmem>>
      %parallel_loop3A_322 = tpu.memref_squeeze %parallel_loop3A_321 : memref<1x50x256xf32, #tpu.memory_space<vmem>> -> memref<50x256xf32, #tpu.memory_space<vmem>>
      %parallel_loop3A_323 = arith.index_cast %parallel_loop3A_130 : i32 to index
      %parallel_loop3A_324 = arith.constant 192 : index
      %parallel_loop3A_325 = tpu.vector_load %parallel_loop3A_322[%parallel_loop3A_323, %parallel_loop3A_324] {strides = array<i32>} : memref<50x256xf32, #tpu.memory_space<vmem>>, vector<16xf32>,
      tpu.vector_store %parallel_loop3A_322[%parallel_loop3A_323, %parallel_loop3A_324], %parallel_loop3A_318 {strides = array<i32>} : memref<50x256xf32, #tpu.memory_space<vmem>>, vector<16xf32>,
      %parallel_loop3A_326 = arith.constant 0 : i32
      %parallel_loop3A_327 = arith.constant 0 : i32
      %parallel_loop3A_328 = tpu.memref_slice %arg6[%parallel_loop3A_48, %parallel_loop3A_326, %parallel_loop3A_327] : memref<2x50x256xi32, #tpu.memory_space<vmem>> -> memref<1x50x256xi32, #tpu.memory_space<vmem>>
      %parallel_loop3A_329 = tpu.memref_squeeze %parallel_loop3A_328 : memref<1x50x256xi32, #tpu.memory_space<vmem>> -> memref<50x256xi32, #tpu.memory_space<vmem>>
      %parallel_loop3A_330 = arith.index_cast %parallel_loop3A_130 : i32 to index
      %parallel_loop3A_331 = arith.constant 208 : index
      %parallel_loop3A_332 = tpu.vector_load %parallel_loop3A_329[%parallel_loop3A_330, %parallel_loop3A_331] {strides = array<i32>} : memref<50x256xi32, #tpu.memory_space<vmem>>, vector<16xi32>,
      %parallel_loop3A_333 = tpu.vector_load_idx %arg5[%parallel_loop3A_332] : memref<64xf32, #tpu.memory_space<vmem>>[vector<16xi32>], vector<16xf32>,
      %parallel_loop3A_334 = arith.constant 0 : i32
      %parallel_loop3A_335 = arith.constant 0 : i32
      %parallel_loop3A_336 = tpu.memref_slice %arg7[%parallel_loop3A_49, %parallel_loop3A_334, %parallel_loop3A_335] : memref<2x50x256xf32, #tpu.memory_space<vmem>> -> memref<1x50x256xf32, #tpu.memory_space<vmem>>
      %parallel_loop3A_337 = tpu.memref_squeeze %parallel_loop3A_336 : memref<1x50x256xf32, #tpu.memory_space<vmem>> -> memref<50x256xf32, #tpu.memory_space<vmem>>
      %parallel_loop3A_338 = arith.index_cast %parallel_loop3A_130 : i32 to index
      %parallel_loop3A_339 = arith.constant 208 : index
      %parallel_loop3A_340 = tpu.vector_load %parallel_loop3A_337[%parallel_loop3A_338, %parallel_loop3A_339] {strides = array<i32>} : memref<50x256xf32, #tpu.memory_space<vmem>>, vector<16xf32>,
      tpu.vector_store %parallel_loop3A_337[%parallel_loop3A_338, %parallel_loop3A_339], %parallel_loop3A_333 {strides = array<i32>} : memref<50x256xf32, #tpu.memory_space<vmem>>, vector<16xf32>,
      %parallel_loop3A_341 = arith.constant 0 : i32
      %parallel_loop3A_342 = arith.constant 0 : i32
      %parallel_loop3A_343 = tpu.memref_slice %arg6[%parallel_loop3A_48, %parallel_loop3A_341, %parallel_loop3A_342] : memref<2x50x256xi32, #tpu.memory_space<vmem>> -> memref<1x50x256xi32, #tpu.memory_space<vmem>>
      %parallel_loop3A_344 = tpu.memref_squeeze %parallel_loop3A_343 : memref<1x50x256xi32, #tpu.memory_space<vmem>> -> memref<50x256xi32, #tpu.memory_space<vmem>>
      %parallel_loop3A_345 = arith.index_cast %parallel_loop3A_130 : i32 to index
      %parallel_loop3A_346 = arith.constant 224 : index
      %parallel_loop3A_347 = tpu.vector_load %parallel_loop3A_344[%parallel_loop3A_345, %parallel_loop3A_346] {strides = array<i32>} : memref<50x256xi32, #tpu.memory_space<vmem>>, vector<16xi32>,
      %parallel_loop3A_348 = tpu.vector_load_idx %arg5[%parallel_loop3A_347] : memref<64xf32, #tpu.memory_space<vmem>>[vector<16xi32>], vector<16xf32>,
      %parallel_loop3A_349 = arith.constant 0 : i32
      %parallel_loop3A_350 = arith.constant 0 : i32
      %parallel_loop3A_351 = tpu.memref_slice %arg7[%parallel_loop3A_49, %parallel_loop3A_349, %parallel_loop3A_350] : memref<2x50x256xf32, #tpu.memory_space<vmem>> -> memref<1x50x256xf32, #tpu.memory_space<vmem>>
      %parallel_loop3A_352 = tpu.memref_squeeze %parallel_loop3A_351 : memref<1x50x256xf32, #tpu.memory_space<vmem>> -> memref<50x256xf32, #tpu.memory_space<vmem>>
      %parallel_loop3A_353 = arith.index_cast %parallel_loop3A_130 : i32 to index
      %parallel_loop3A_354 = arith.constant 224 : index
      %parallel_loop3A_355 = tpu.vector_load %parallel_loop3A_352[%parallel_loop3A_353, %parallel_loop3A_354] {strides = array<i32>} : memref<50x256xf32, #tpu.memory_space<vmem>>, vector<16xf32>,
      tpu.vector_store %parallel_loop3A_352[%parallel_loop3A_353, %parallel_loop3A_354], %parallel_loop3A_348 {strides = array<i32>} : memref<50x256xf32, #tpu.memory_space<vmem>>, vector<16xf32>,
      %parallel_loop3A_356 = arith.constant 0 : i32
      %parallel_loop3A_357 = arith.constant 0 : i32
      %parallel_loop3A_358 = tpu.memref_slice %arg6[%parallel_loop3A_48, %parallel_loop3A_356, %parallel_loop3A_357] : memref<2x50x256xi32, #tpu.memory_space<vmem>> -> memref<1x50x256xi32, #tpu.memory_space<vmem>>
      %parallel_loop3A_359 = tpu.memref_squeeze %parallel_loop3A_358 : memref<1x50x256xi32, #tpu.memory_space<vmem>> -> memref<50x256xi32, #tpu.memory_space<vmem>>
      %parallel_loop3A_360 = arith.index_cast %parallel_loop3A_130 : i32 to index
      %parallel_loop3A_361 = arith.constant 240 : index
      %parallel_loop3A_362 = tpu.vector_load %parallel_loop3A_359[%parallel_loop3A_360, %parallel_loop3A_361] {strides = array<i32>} : memref<50x256xi32, #tpu.memory_space<vmem>>, vector<16xi32>,
      %parallel_loop3A_363 = tpu.vector_load_idx %arg5[%parallel_loop3A_362] : memref<64xf32, #tpu.memory_space<vmem>>[vector<16xi32>], vector<16xf32>,
      %parallel_loop3A_364 = arith.constant 0 : i32
      %parallel_loop3A_365 = arith.constant 0 : i32
      %parallel_loop3A_366 = tpu.memref_slice %arg7[%parallel_loop3A_49, %parallel_loop3A_364, %parallel_loop3A_365] : memref<2x50x256xf32, #tpu.memory_space<vmem>> -> memref<1x50x256xf32, #tpu.memory_space<vmem>>
      %parallel_loop3A_367 = tpu.memref_squeeze %parallel_loop3A_366 : memref<1x50x256xf32, #tpu.memory_space<vmem>> -> memref<50x256xf32, #tpu.memory_space<vmem>>
      %parallel_loop3A_368 = arith.index_cast %parallel_loop3A_130 : i32 to index
      %parallel_loop3A_369 = arith.constant 240 : index
      %parallel_loop3A_370 = tpu.vector_load %parallel_loop3A_367[%parallel_loop3A_368, %parallel_loop3A_369] {strides = array<i32>} : memref<50x256xf32, #tpu.memory_space<vmem>>, vector<16xf32>,
      tpu.vector_store %parallel_loop3A_367[%parallel_loop3A_368, %parallel_loop3A_369], %parallel_loop3A_363 {strides = array<i32>} : memref<50x256xf32, #tpu.memory_space<vmem>>, vector<16xf32>,
    } {sc.loop_unroll_factor = 2 : i64, sc.parallel_access}
    %add3A_50 = arith.constant 0 : i32
    %add3A_51 = arith.addi %mul3A_2, %add3A_50 : i32
    %dma_start3A_52 = arith.constant 0 : i32
    %dma_start3A_53 = arith.constant 0 : i32
    %dma_start3A_54 = arith.constant 0 : i32
    %dma_start3A_55 = tpu.memref_slice %arg7[%dma_start3A_52, %dma_start3A_53, %dma_start3A_54] : memref<2x50x256xf32, #tpu.memory_space<vmem>> -> memref<1x50x256xf32, #tpu.memory_space<vmem>>
    %dma_start3A_56 = tpu.memref_squeeze %dma_start3A_55 : memref<1x50x256xf32, #tpu.memory_space<vmem>> -> memref<50x256xf32, #tpu.memory_space<vmem>>
    %dma_start3A_57 = arith.constant 0 : i32
    %dma_start3A_58 = tpu.memref_slice %arg4[%dma_start3A_57, %add3A_51] : memref<50x16384xf32, #tpu.memory_space<hbm>> -> memref<50x256xf32, #tpu.memory_space<hbm>>
    %dma_start3A_59 = arith.constant 0 : i32
    %dma_start3A_60 = tpu.memref_slice %arg4[%dma_start3A_59, %add3A_51] : memref<50x16384xf32, #tpu.memory_space<hbm>> -> memref<50x256xf32, #tpu.memory_space<hbm>>
    %dma_start3A_61 = arith.constant 0 : i32
    %dma_start3A_62 = arith.constant 0 : i32
    %dma_start3A_63 = tpu.memref_slice %arg7[%dma_start3A_52, %dma_start3A_61, %dma_start3A_62] : memref<2x50x256xf32, #tpu.memory_space<vmem>> -> memref<1x50x256xf32, #tpu.memory_space<vmem>>
    %dma_start3A_64 = tpu.memref_squeeze %dma_start3A_63 : memref<1x50x256xf32, #tpu.memory_space<vmem>> -> memref<50x256xf32, #tpu.memory_space<vmem>>
    tpu.enqueue_dma source(%dma_start3A_64 : memref<50x256xf32, #tpu.memory_space<vmem>>) target(%dma_start3A_60 : memref<50x256xf32, #tpu.memory_space<hbm>>) target_semaphore(%arg10 : memref<!tpu.dma_semaphore, #tpu.memory_space<semaphore_mem>>)
    %add3A_65 = arith.constant 256 : i32
    %add3A_66 = arith.addi %mul3A_2, %add3A_65 : i32
    %dma_wait3A_67 = arith.constant 1 : i32
    %dma_wait3A_68 = arith.constant 0 : i32
    %dma_wait3A_69 = arith.constant 0 : i32
    %dma_wait3A_70 = tpu.memref_slice %arg6[%dma_wait3A_67, %dma_wait3A_68, %dma_wait3A_69] : memref<2x50x256xi32, #tpu.memory_space<vmem>> -> memref<1x50x256xi32, #tpu.memory_space<vmem>>
    %dma_wait3A_71 = tpu.memref_squeeze %dma_wait3A_70 : memref<1x50x256xi32, #tpu.memory_space<vmem>> -> memref<50x256xi32, #tpu.memory_space<vmem>>
    %dma_wait3A_72 = arith.constant 0 : i32
    %dma_wait3A_73 = tpu.memref_slice %arg2[%dma_wait3A_72, %add3A_66] : memref<50x16384xi32, #tpu.memory_space<hbm>> -> memref<50x256xi32, #tpu.memory_space<hbm>>
    %dma_wait3A_74 = arith.constant 0 : i32
    %dma_wait3A_75 = arith.constant 0 : i32
    %dma_wait3A_76 = tpu.memref_slice %arg6[%dma_wait3A_67, %dma_wait3A_74, %dma_wait3A_75] : memref<2x50x256xi32, #tpu.memory_space<vmem>> -> memref<1x50x256xi32, #tpu.memory_space<vmem>>
    %dma_wait3A_77 = tpu.memref_squeeze %dma_wait3A_76 : memref<1x50x256xi32, #tpu.memory_space<vmem>> -> memref<50x256xi32, #tpu.memory_space<vmem>>
    %dma_wait3A_78 = arith.constant 0 : i32
    %dma_wait3A_79 = tpu.memref_slice %arg2[%dma_wait3A_78, %add3A_66] : memref<50x16384xi32, #tpu.memory_space<hbm>> -> memref<50x256xi32, #tpu.memory_space<hbm>>
    tpu.wait_dma2 semaphore(%arg9 : memref<!tpu.dma_semaphore, #tpu.memory_space<semaphore_mem>>) src(%dma_wait3A_79 : memref<50x256xi32, #tpu.memory_space<hbm>>) dst(%dma_wait3A_77 : memref<50x256xi32, #tpu.memory_space<vmem>>)
    %parallel_loop3A_80 = arith.constant 0 : i32
    %parallel_loop3A_81 = arith.constant 50 : i32
    %parallel_loop3A_82 = arith.constant 1 : i32
    %parallel_loop3A_83 = arith.constant 1 : i32
    %parallel_loop3A_84 = arith.constant 1 : i32
    scf.for %parallel_loop3A_130 = %parallel_loop3A_80 to %parallel_loop3A_81 step %parallel_loop3A_82  : i32 {
      %parallel_loop3A_131 = arith.constant 0 : i32
      %parallel_loop3A_132 = arith.constant 0 : i32
      %parallel_loop3A_133 = tpu.memref_slice %arg6[%parallel_loop3A_83, %parallel_loop3A_131, %parallel_loop3A_132] : memref<2x50x256xi32, #tpu.memory_space<vmem>> -> memref<1x50x256xi32, #tpu.memory_space<vmem>>
      %parallel_loop3A_134 = tpu.memref_squeeze %parallel_loop3A_133 : memref<1x50x256xi32, #tpu.memory_space<vmem>> -> memref<50x256xi32, #tpu.memory_space<vmem>>
      %parallel_loop3A_135 = arith.index_cast %parallel_loop3A_130 : i32 to index
      %parallel_loop3A_136 = arith.constant 0 : index
      %parallel_loop3A_137 = tpu.vector_load %parallel_loop3A_134[%parallel_loop3A_135, %parallel_loop3A_136] {strides = array<i32>} : memref<50x256xi32, #tpu.memory_space<vmem>>, vector<16xi32>,
      %parallel_loop3A_138 = tpu.vector_load_idx %arg5[%parallel_loop3A_137] : memref<64xf32, #tpu.memory_space<vmem>>[vector<16xi32>], vector<16xf32>,
      %parallel_loop3A_139 = arith.constant 0 : i32
      %parallel_loop3A_140 = arith.constant 0 : i32
      %parallel_loop3A_141 = tpu.memref_slice %arg7[%parallel_loop3A_84, %parallel_loop3A_139, %parallel_loop3A_140] : memref<2x50x256xf32, #tpu.memory_space<vmem>> -> memref<1x50x256xf32, #tpu.memory_space<vmem>>
      %parallel_loop3A_142 = tpu.memref_squeeze %parallel_loop3A_141 : memref<1x50x256xf32, #tpu.memory_space<vmem>> -> memref<50x256xf32, #tpu.memory_space<vmem>>
      %parallel_loop3A_143 = arith.index_cast %parallel_loop3A_130 : i32 to index
      %parallel_loop3A_144 = arith.constant 0 : index
      %parallel_loop3A_145 = tpu.vector_load %parallel_loop3A_142[%parallel_loop3A_143, %parallel_loop3A_144] {strides = array<i32>} : memref<50x256xf32, #tpu.memory_space<vmem>>, vector<16xf32>,
      tpu.vector_store %parallel_loop3A_142[%parallel_loop3A_143, %parallel_loop3A_144], %parallel_loop3A_138 {strides = array<i32>} : memref<50x256xf32, #tpu.memory_space<vmem>>, vector<16xf32>,
      %parallel_loop3A_146 = arith.constant 0 : i32
      %parallel_loop3A_147 = arith.constant 0 : i32
      %parallel_loop3A_148 = tpu.memref_slice %arg6[%parallel_loop3A_83, %parallel_loop3A_146, %parallel_loop3A_147] : memref<2x50x256xi32, #tpu.memory_space<vmem>> -> memref<1x50x256xi32, #tpu.memory_space<vmem>>
      %parallel_loop3A_149 = tpu.memref_squeeze %parallel_loop3A_148 : memref<1x50x256xi32, #tpu.memory_space<vmem>> -> memref<50x256xi32, #tpu.memory_space<vmem>>
      %parallel_loop3A_150 = arith.index_cast %parallel_loop3A_130 : i32 to index
      %parallel_loop3A_151 = arith.constant 16 : index
      %parallel_loop3A_152 = tpu.vector_load %parallel_loop3A_149[%parallel_loop3A_150, %parallel_loop3A_151] {strides = array<i32>} : memref<50x256xi32, #tpu.memory_space<vmem>>, vector<16xi32>,
      %parallel_loop3A_153 = tpu.vector_load_idx %arg5[%parallel_loop3A_152] : memref<64xf32, #tpu.memory_space<vmem>>[vector<16xi32>], vector<16xf32>,
      %parallel_loop3A_154 = arith.constant 0 : i32
      %parallel_loop3A_155 = arith.constant 0 : i32
      %parallel_loop3A_156 = tpu.memref_slice %arg7[%parallel_loop3A_84, %parallel_loop3A_154, %parallel_loop3A_155] : memref<2x50x256xf32, #tpu.memory_space<vmem>> -> memref<1x50x256xf32, #tpu.memory_space<vmem>>
      %parallel_loop3A_157 = tpu.memref_squeeze %parallel_loop3A_156 : memref<1x50x256xf32, #tpu.memory_space<vmem>> -> memref<50x256xf32, #tpu.memory_space<vmem>>
      %parallel_loop3A_158 = arith.index_cast %parallel_loop3A_130 : i32 to index
      %parallel_loop3A_159 = arith.constant 16 : index
      %parallel_loop3A_160 = tpu.vector_load %parallel_loop3A_157[%parallel_loop3A_158, %parallel_loop3A_159] {strides = array<i32>} : memref<50x256xf32, #tpu.memory_space<vmem>>, vector<16xf32>,
      tpu.vector_store %parallel_loop3A_157[%parallel_loop3A_158, %parallel_loop3A_159], %parallel_loop3A_153 {strides = array<i32>} : memref<50x256xf32, #tpu.memory_space<vmem>>, vector<16xf32>,
      %parallel_loop3A_161 = arith.constant 0 : i32
      %parallel_loop3A_162 = arith.constant 0 : i32
      %parallel_loop3A_163 = tpu.memref_slice %arg6[%parallel_loop3A_83, %parallel_loop3A_161, %parallel_loop3A_162] : memref<2x50x256xi32, #tpu.memory_space<vmem>> -> memref<1x50x256xi32, #tpu.memory_space<vmem>>
      %parallel_loop3A_164 = tpu.memref_squeeze %parallel_loop3A_163 : memref<1x50x256xi32, #tpu.memory_space<vmem>> -> memref<50x256xi32, #tpu.memory_space<vmem>>
      %parallel_loop3A_165 = arith.index_cast %parallel_loop3A_130 : i32 to index
      %parallel_loop3A_166 = arith.constant 32 : index
      %parallel_loop3A_167 = tpu.vector_load %parallel_loop3A_164[%parallel_loop3A_165, %parallel_loop3A_166] {strides = array<i32>} : memref<50x256xi32, #tpu.memory_space<vmem>>, vector<16xi32>,
      %parallel_loop3A_168 = tpu.vector_load_idx %arg5[%parallel_loop3A_167] : memref<64xf32, #tpu.memory_space<vmem>>[vector<16xi32>], vector<16xf32>,
      %parallel_loop3A_169 = arith.constant 0 : i32
      %parallel_loop3A_170 = arith.constant 0 : i32
      %parallel_loop3A_171 = tpu.memref_slice %arg7[%parallel_loop3A_84, %parallel_loop3A_169, %parallel_loop3A_170] : memref<2x50x256xf32, #tpu.memory_space<vmem>> -> memref<1x50x256xf32, #tpu.memory_space<vmem>>
      %parallel_loop3A_172 = tpu.memref_squeeze %parallel_loop3A_171 : memref<1x50x256xf32, #tpu.memory_space<vmem>> -> memref<50x256xf32, #tpu.memory_space<vmem>>
      %parallel_loop3A_173 = arith.index_cast %parallel_loop3A_130 : i32 to index
      %parallel_loop3A_174 = arith.constant 32 : index
      %parallel_loop3A_175 = tpu.vector_load %parallel_loop3A_172[%parallel_loop3A_173, %parallel_loop3A_174] {strides = array<i32>} : memref<50x256xf32, #tpu.memory_space<vmem>>, vector<16xf32>,
      tpu.vector_store %parallel_loop3A_172[%parallel_loop3A_173, %parallel_loop3A_174], %parallel_loop3A_168 {strides = array<i32>} : memref<50x256xf32, #tpu.memory_space<vmem>>, vector<16xf32>,
      %parallel_loop3A_176 = arith.constant 0 : i32
      %parallel_loop3A_177 = arith.constant 0 : i32
      %parallel_loop3A_178 = tpu.memref_slice %arg6[%parallel_loop3A_83, %parallel_loop3A_176, %parallel_loop3A_177] : memref<2x50x256xi32, #tpu.memory_space<vmem>> -> memref<1x50x256xi32, #tpu.memory_space<vmem>>
      %parallel_loop3A_179 = tpu.memref_squeeze %parallel_loop3A_178 : memref<1x50x256xi32, #tpu.memory_space<vmem>> -> memref<50x256xi32, #tpu.memory_space<vmem>>
      %parallel_loop3A_180 = arith.index_cast %parallel_loop3A_130 : i32 to index
      %parallel_loop3A_181 = arith.constant 48 : index
      %parallel_loop3A_182 = tpu.vector_load %parallel_loop3A_179[%parallel_loop3A_180, %parallel_loop3A_181] {strides = array<i32>} : memref<50x256xi32, #tpu.memory_space<vmem>>, vector<16xi32>,
      %parallel_loop3A_183 = tpu.vector_load_idx %arg5[%parallel_loop3A_182] : memref<64xf32, #tpu.memory_space<vmem>>[vector<16xi32>], vector<16xf32>,
      %parallel_loop3A_184 = arith.constant 0 : i32
      %parallel_loop3A_185 = arith.constant 0 : i32
      %parallel_loop3A_186 = tpu.memref_slice %arg7[%parallel_loop3A_84, %parallel_loop3A_184, %parallel_loop3A_185] : memref<2x50x256xf32, #tpu.memory_space<vmem>> -> memref<1x50x256xf32, #tpu.memory_space<vmem>>
      %parallel_loop3A_187 = tpu.memref_squeeze %parallel_loop3A_186 : memref<1x50x256xf32, #tpu.memory_space<vmem>> -> memref<50x256xf32, #tpu.memory_space<vmem>>
      %parallel_loop3A_188 = arith.index_cast %parallel_loop3A_130 : i32 to index
      %parallel_loop3A_189 = arith.constant 48 : index
      %parallel_loop3A_190 = tpu.vector_load %parallel_loop3A_187[%parallel_loop3A_188, %parallel_loop3A_189] {strides = array<i32>} : memref<50x256xf32, #tpu.memory_space<vmem>>, vector<16xf32>,
      tpu.vector_store %parallel_loop3A_187[%parallel_loop3A_188, %parallel_loop3A_189], %parallel_loop3A_183 {strides = array<i32>} : memref<50x256xf32, #tpu.memory_space<vmem>>, vector<16xf32>,
      %parallel_loop3A_191 = arith.constant 0 : i32
      %parallel_loop3A_192 = arith.constant 0 : i32
      %parallel_loop3A_193 = tpu.memref_slice %arg6[%parallel_loop3A_83, %parallel_loop3A_191, %parallel_loop3A_192] : memref<2x50x256xi32, #tpu.memory_space<vmem>> -> memref<1x50x256xi32, #tpu.memory_space<vmem>>
      %parallel_loop3A_194 = tpu.memref_squeeze %parallel_loop3A_193 : memref<1x50x256xi32, #tpu.memory_space<vmem>> -> memref<50x256xi32, #tpu.memory_space<vmem>>
      %parallel_loop3A_195 = arith.index_cast %parallel_loop3A_130 : i32 to index
      %parallel_loop3A_196 = arith.constant 64 : index
      %parallel_loop3A_197 = tpu.vector_load %parallel_loop3A_194[%parallel_loop3A_195, %parallel_loop3A_196] {strides = array<i32>} : memref<50x256xi32, #tpu.memory_space<vmem>>, vector<16xi32>,
      %parallel_loop3A_198 = tpu.vector_load_idx %arg5[%parallel_loop3A_197] : memref<64xf32, #tpu.memory_space<vmem>>[vector<16xi32>], vector<16xf32>,
      %parallel_loop3A_199 = arith.constant 0 : i32
      %parallel_loop3A_200 = arith.constant 0 : i32
      %parallel_loop3A_201 = tpu.memref_slice %arg7[%parallel_loop3A_84, %parallel_loop3A_199, %parallel_loop3A_200] : memref<2x50x256xf32, #tpu.memory_space<vmem>> -> memref<1x50x256xf32, #tpu.memory_space<vmem>>
      %parallel_loop3A_202 = tpu.memref_squeeze %parallel_loop3A_201 : memref<1x50x256xf32, #tpu.memory_space<vmem>> -> memref<50x256xf32, #tpu.memory_space<vmem>>
      %parallel_loop3A_203 = arith.index_cast %parallel_loop3A_130 : i32 to index
      %parallel_loop3A_204 = arith.constant 64 : index
      %parallel_loop3A_205 = tpu.vector_load %parallel_loop3A_202[%parallel_loop3A_203, %parallel_loop3A_204] {strides = array<i32>} : memref<50x256xf32, #tpu.memory_space<vmem>>, vector<16xf32>,
      tpu.vector_store %parallel_loop3A_202[%parallel_loop3A_203, %parallel_loop3A_204], %parallel_loop3A_198 {strides = array<i32>} : memref<50x256xf32, #tpu.memory_space<vmem>>, vector<16xf32>,
      %parallel_loop3A_206 = arith.constant 0 : i32
      %parallel_loop3A_207 = arith.constant 0 : i32
      %parallel_loop3A_208 = tpu.memref_slice %arg6[%parallel_loop3A_83, %parallel_loop3A_206, %parallel_loop3A_207] : memref<2x50x256xi32, #tpu.memory_space<vmem>> -> memref<1x50x256xi32, #tpu.memory_space<vmem>>
      %parallel_loop3A_209 = tpu.memref_squeeze %parallel_loop3A_208 : memref<1x50x256xi32, #tpu.memory_space<vmem>> -> memref<50x256xi32, #tpu.memory_space<vmem>>
      %parallel_loop3A_210 = arith.index_cast %parallel_loop3A_130 : i32 to index
      %parallel_loop3A_211 = arith.constant 80 : index
      %parallel_loop3A_212 = tpu.vector_load %parallel_loop3A_209[%parallel_loop3A_210, %parallel_loop3A_211] {strides = array<i32>} : memref<50x256xi32, #tpu.memory_space<vmem>>, vector<16xi32>,
      %parallel_loop3A_213 = tpu.vector_load_idx %arg5[%parallel_loop3A_212] : memref<64xf32, #tpu.memory_space<vmem>>[vector<16xi32>], vector<16xf32>,
      %parallel_loop3A_214 = arith.constant 0 : i32
      %parallel_loop3A_215 = arith.constant 0 : i32
      %parallel_loop3A_216 = tpu.memref_slice %arg7[%parallel_loop3A_84, %parallel_loop3A_214, %parallel_loop3A_215] : memref<2x50x256xf32, #tpu.memory_space<vmem>> -> memref<1x50x256xf32, #tpu.memory_space<vmem>>
      %parallel_loop3A_217 = tpu.memref_squeeze %parallel_loop3A_216 : memref<1x50x256xf32, #tpu.memory_space<vmem>> -> memref<50x256xf32, #tpu.memory_space<vmem>>
      %parallel_loop3A_218 = arith.index_cast %parallel_loop3A_130 : i32 to index
      %parallel_loop3A_219 = arith.constant 80 : index
      %parallel_loop3A_220 = tpu.vector_load %parallel_loop3A_217[%parallel_loop3A_218, %parallel_loop3A_219] {strides = array<i32>} : memref<50x256xf32, #tpu.memory_space<vmem>>, vector<16xf32>,
      tpu.vector_store %parallel_loop3A_217[%parallel_loop3A_218, %parallel_loop3A_219], %parallel_loop3A_213 {strides = array<i32>} : memref<50x256xf32, #tpu.memory_space<vmem>>, vector<16xf32>,
      %parallel_loop3A_221 = arith.constant 0 : i32
      %parallel_loop3A_222 = arith.constant 0 : i32
      %parallel_loop3A_223 = tpu.memref_slice %arg6[%parallel_loop3A_83, %parallel_loop3A_221, %parallel_loop3A_222] : memref<2x50x256xi32, #tpu.memory_space<vmem>> -> memref<1x50x256xi32, #tpu.memory_space<vmem>>
      %parallel_loop3A_224 = tpu.memref_squeeze %parallel_loop3A_223 : memref<1x50x256xi32, #tpu.memory_space<vmem>> -> memref<50x256xi32, #tpu.memory_space<vmem>>
      %parallel_loop3A_225 = arith.index_cast %parallel_loop3A_130 : i32 to index
      %parallel_loop3A_226 = arith.constant 96 : index
      %parallel_loop3A_227 = tpu.vector_load %parallel_loop3A_224[%parallel_loop3A_225, %parallel_loop3A_226] {strides = array<i32>} : memref<50x256xi32, #tpu.memory_space<vmem>>, vector<16xi32>,
      %parallel_loop3A_228 = tpu.vector_load_idx %arg5[%parallel_loop3A_227] : memref<64xf32, #tpu.memory_space<vmem>>[vector<16xi32>], vector<16xf32>,
      %parallel_loop3A_229 = arith.constant 0 : i32
      %parallel_loop3A_230 = arith.constant 0 : i32
      %parallel_loop3A_231 = tpu.memref_slice %arg7[%parallel_loop3A_84, %parallel_loop3A_229, %parallel_loop3A_230] : memref<2x50x256xf32, #tpu.memory_space<vmem>> -> memref<1x50x256xf32, #tpu.memory_space<vmem>>
      %parallel_loop3A_232 = tpu.memref_squeeze %parallel_loop3A_231 : memref<1x50x256xf32, #tpu.memory_space<vmem>> -> memref<50x256xf32, #tpu.memory_space<vmem>>
      %parallel_loop3A_233 = arith.index_cast %parallel_loop3A_130 : i32 to index
      %parallel_loop3A_234 = arith.constant 96 : index
      %parallel_loop3A_235 = tpu.vector_load %parallel_loop3A_232[%parallel_loop3A_233, %parallel_loop3A_234] {strides = array<i32>} : memref<50x256xf32, #tpu.memory_space<vmem>>, vector<16xf32>,
      tpu.vector_store %parallel_loop3A_232[%parallel_loop3A_233, %parallel_loop3A_234], %parallel_loop3A_228 {strides = array<i32>} : memref<50x256xf32, #tpu.memory_space<vmem>>, vector<16xf32>,
      %parallel_loop3A_236 = arith.constant 0 : i32
      %parallel_loop3A_237 = arith.constant 0 : i32
      %parallel_loop3A_238 = tpu.memref_slice %arg6[%parallel_loop3A_83, %parallel_loop3A_236, %parallel_loop3A_237] : memref<2x50x256xi32, #tpu.memory_space<vmem>> -> memref<1x50x256xi32, #tpu.memory_space<vmem>>
      %parallel_loop3A_239 = tpu.memref_squeeze %parallel_loop3A_238 : memref<1x50x256xi32, #tpu.memory_space<vmem>> -> memref<50x256xi32, #tpu.memory_space<vmem>>
      %parallel_loop3A_240 = arith.index_cast %parallel_loop3A_130 : i32 to index
      %parallel_loop3A_241 = arith.constant 112 : index
      %parallel_loop3A_242 = tpu.vector_load %parallel_loop3A_239[%parallel_loop3A_240, %parallel_loop3A_241] {strides = array<i32>} : memref<50x256xi32, #tpu.memory_space<vmem>>, vector<16xi32>,
      %parallel_loop3A_243 = tpu.vector_load_idx %arg5[%parallel_loop3A_242] : memref<64xf32, #tpu.memory_space<vmem>>[vector<16xi32>], vector<16xf32>,
      %parallel_loop3A_244 = arith.constant 0 : i32
      %parallel_loop3A_245 = arith.constant 0 : i32
      %parallel_loop3A_246 = tpu.memref_slice %arg7[%parallel_loop3A_84, %parallel_loop3A_244, %parallel_loop3A_245] : memref<2x50x256xf32, #tpu.memory_space<vmem>> -> memref<1x50x256xf32, #tpu.memory_space<vmem>>
      %parallel_loop3A_247 = tpu.memref_squeeze %parallel_loop3A_246 : memref<1x50x256xf32, #tpu.memory_space<vmem>> -> memref<50x256xf32, #tpu.memory_space<vmem>>
      %parallel_loop3A_248 = arith.index_cast %parallel_loop3A_130 : i32 to index
      %parallel_loop3A_249 = arith.constant 112 : index
      %parallel_loop3A_250 = tpu.vector_load %parallel_loop3A_247[%parallel_loop3A_248, %parallel_loop3A_249] {strides = array<i32>} : memref<50x256xf32, #tpu.memory_space<vmem>>, vector<16xf32>,
      tpu.vector_store %parallel_loop3A_247[%parallel_loop3A_248, %parallel_loop3A_249], %parallel_loop3A_243 {strides = array<i32>} : memref<50x256xf32, #tpu.memory_space<vmem>>, vector<16xf32>,
      %parallel_loop3A_251 = arith.constant 0 : i32
      %parallel_loop3A_252 = arith.constant 0 : i32
      %parallel_loop3A_253 = tpu.memref_slice %arg6[%parallel_loop3A_83, %parallel_loop3A_251, %parallel_loop3A_252] : memref<2x50x256xi32, #tpu.memory_space<vmem>> -> memref<1x50x256xi32, #tpu.memory_space<vmem>>
      %parallel_loop3A_254 = tpu.memref_squeeze %parallel_loop3A_253 : memref<1x50x256xi32, #tpu.memory_space<vmem>> -> memref<50x256xi32, #tpu.memory_space<vmem>>
      %parallel_loop3A_255 = arith.index_cast %parallel_loop3A_130 : i32 to index
      %parallel_loop3A_256 = arith.constant 128 : index
      %parallel_loop3A_257 = tpu.vector_load %parallel_loop3A_254[%parallel_loop3A_255, %parallel_loop3A_256] {strides = array<i32>} : memref<50x256xi32, #tpu.memory_space<vmem>>, vector<16xi32>,
      %parallel_loop3A_258 = tpu.vector_load_idx %arg5[%parallel_loop3A_257] : memref<64xf32, #tpu.memory_space<vmem>>[vector<16xi32>], vector<16xf32>,
      %parallel_loop3A_259 = arith.constant 0 : i32
      %parallel_loop3A_260 = arith.constant 0 : i32
      %parallel_loop3A_261 = tpu.memref_slice %arg7[%parallel_loop3A_84, %parallel_loop3A_259, %parallel_loop3A_260] : memref<2x50x256xf32, #tpu.memory_space<vmem>> -> memref<1x50x256xf32, #tpu.memory_space<vmem>>
      %parallel_loop3A_262 = tpu.memref_squeeze %parallel_loop3A_261 : memref<1x50x256xf32, #tpu.memory_space<vmem>> -> memref<50x256xf32, #tpu.memory_space<vmem>>
      %parallel_loop3A_263 = arith.index_cast %parallel_loop3A_130 : i32 to index
      %parallel_loop3A_264 = arith.constant 128 : index
      %parallel_loop3A_265 = tpu.vector_load %parallel_loop3A_262[%parallel_loop3A_263, %parallel_loop3A_264] {strides = array<i32>} : memref<50x256xf32, #tpu.memory_space<vmem>>, vector<16xf32>,
      tpu.vector_store %parallel_loop3A_262[%parallel_loop3A_263, %parallel_loop3A_264], %parallel_loop3A_258 {strides = array<i32>} : memref<50x256xf32, #tpu.memory_space<vmem>>, vector<16xf32>,
      %parallel_loop3A_266 = arith.constant 0 : i32
      %parallel_loop3A_267 = arith.constant 0 : i32
      %parallel_loop3A_268 = tpu.memref_slice %arg6[%parallel_loop3A_83, %parallel_loop3A_266, %parallel_loop3A_267] : memref<2x50x256xi32, #tpu.memory_space<vmem>> -> memref<1x50x256xi32, #tpu.memory_space<vmem>>
      %parallel_loop3A_269 = tpu.memref_squeeze %parallel_loop3A_268 : memref<1x50x256xi32, #tpu.memory_space<vmem>> -> memref<50x256xi32, #tpu.memory_space<vmem>>
      %parallel_loop3A_270 = arith.index_cast %parallel_loop3A_130 : i32 to index
      %parallel_loop3A_271 = arith.constant 144 : index
      %parallel_loop3A_272 = tpu.vector_load %parallel_loop3A_269[%parallel_loop3A_270, %parallel_loop3A_271] {strides = array<i32>} : memref<50x256xi32, #tpu.memory_space<vmem>>, vector<16xi32>,
      %parallel_loop3A_273 = tpu.vector_load_idx %arg5[%parallel_loop3A_272] : memref<64xf32, #tpu.memory_space<vmem>>[vector<16xi32>], vector<16xf32>,
      %parallel_loop3A_274 = arith.constant 0 : i32
      %parallel_loop3A_275 = arith.constant 0 : i32
      %parallel_loop3A_276 = tpu.memref_slice %arg7[%parallel_loop3A_84, %parallel_loop3A_274, %parallel_loop3A_275] : memref<2x50x256xf32, #tpu.memory_space<vmem>> -> memref<1x50x256xf32, #tpu.memory_space<vmem>>
      %parallel_loop3A_277 = tpu.memref_squeeze %parallel_loop3A_276 : memref<1x50x256xf32, #tpu.memory_space<vmem>> -> memref<50x256xf32, #tpu.memory_space<vmem>>
      %parallel_loop3A_278 = arith.index_cast %parallel_loop3A_130 : i32 to index
      %parallel_loop3A_279 = arith.constant 144 : index
      %parallel_loop3A_280 = tpu.vector_load %parallel_loop3A_277[%parallel_loop3A_278, %parallel_loop3A_279] {strides = array<i32>} : memref<50x256xf32, #tpu.memory_space<vmem>>, vector<16xf32>,
      tpu.vector_store %parallel_loop3A_277[%parallel_loop3A_278, %parallel_loop3A_279], %parallel_loop3A_273 {strides = array<i32>} : memref<50x256xf32, #tpu.memory_space<vmem>>, vector<16xf32>,
      %parallel_loop3A_281 = arith.constant 0 : i32
      %parallel_loop3A_282 = arith.constant 0 : i32
      %parallel_loop3A_283 = tpu.memref_slice %arg6[%parallel_loop3A_83, %parallel_loop3A_281, %parallel_loop3A_282] : memref<2x50x256xi32, #tpu.memory_space<vmem>> -> memref<1x50x256xi32, #tpu.memory_space<vmem>>
      %parallel_loop3A_284 = tpu.memref_squeeze %parallel_loop3A_283 : memref<1x50x256xi32, #tpu.memory_space<vmem>> -> memref<50x256xi32, #tpu.memory_space<vmem>>
      %parallel_loop3A_285 = arith.index_cast %parallel_loop3A_130 : i32 to index
      %parallel_loop3A_286 = arith.constant 160 : index
      %parallel_loop3A_287 = tpu.vector_load %parallel_loop3A_284[%parallel_loop3A_285, %parallel_loop3A_286] {strides = array<i32>} : memref<50x256xi32, #tpu.memory_space<vmem>>, vector<16xi32>,
      %parallel_loop3A_288 = tpu.vector_load_idx %arg5[%parallel_loop3A_287] : memref<64xf32, #tpu.memory_space<vmem>>[vector<16xi32>], vector<16xf32>,
      %parallel_loop3A_289 = arith.constant 0 : i32
      %parallel_loop3A_290 = arith.constant 0 : i32
      %parallel_loop3A_291 = tpu.memref_slice %arg7[%parallel_loop3A_84, %parallel_loop3A_289, %parallel_loop3A_290] : memref<2x50x256xf32, #tpu.memory_space<vmem>> -> memref<1x50x256xf32, #tpu.memory_space<vmem>>
      %parallel_loop3A_292 = tpu.memref_squeeze %parallel_loop3A_291 : memref<1x50x256xf32, #tpu.memory_space<vmem>> -> memref<50x256xf32, #tpu.memory_space<vmem>>
      %parallel_loop3A_293 = arith.index_cast %parallel_loop3A_130 : i32 to index
      %parallel_loop3A_294 = arith.constant 160 : index
      %parallel_loop3A_295 = tpu.vector_load %parallel_loop3A_292[%parallel_loop3A_293, %parallel_loop3A_294] {strides = array<i32>} : memref<50x256xf32, #tpu.memory_space<vmem>>, vector<16xf32>,
      tpu.vector_store %parallel_loop3A_292[%parallel_loop3A_293, %parallel_loop3A_294], %parallel_loop3A_288 {strides = array<i32>} : memref<50x256xf32, #tpu.memory_space<vmem>>, vector<16xf32>,
      %parallel_loop3A_296 = arith.constant 0 : i32
      %parallel_loop3A_297 = arith.constant 0 : i32
      %parallel_loop3A_298 = tpu.memref_slice %arg6[%parallel_loop3A_83, %parallel_loop3A_296, %parallel_loop3A_297] : memref<2x50x256xi32, #tpu.memory_space<vmem>> -> memref<1x50x256xi32, #tpu.memory_space<vmem>>
      %parallel_loop3A_299 = tpu.memref_squeeze %parallel_loop3A_298 : memref<1x50x256xi32, #tpu.memory_space<vmem>> -> memref<50x256xi32, #tpu.memory_space<vmem>>
      %parallel_loop3A_300 = arith.index_cast %parallel_loop3A_130 : i32 to index
      %parallel_loop3A_301 = arith.constant 176 : index
      %parallel_loop3A_302 = tpu.vector_load %parallel_loop3A_299[%parallel_loop3A_300, %parallel_loop3A_301] {strides = array<i32>} : memref<50x256xi32, #tpu.memory_space<vmem>>, vector<16xi32>,
      %parallel_loop3A_303 = tpu.vector_load_idx %arg5[%parallel_loop3A_302] : memref<64xf32, #tpu.memory_space<vmem>>[vector<16xi32>], vector<16xf32>,
      %parallel_loop3A_304 = arith.constant 0 : i32
      %parallel_loop3A_305 = arith.constant 0 : i32
      %parallel_loop3A_306 = tpu.memref_slice %arg7[%parallel_loop3A_84, %parallel_loop3A_304, %parallel_loop3A_305] : memref<2x50x256xf32, #tpu.memory_space<vmem>> -> memref<1x50x256xf32, #tpu.memory_space<vmem>>
      %parallel_loop3A_307 = tpu.memref_squeeze %parallel_loop3A_306 : memref<1x50x256xf32, #tpu.memory_space<vmem>> -> memref<50x256xf32, #tpu.memory_space<vmem>>
      %parallel_loop3A_308 = arith.index_cast %parallel_loop3A_130 : i32 to index
      %parallel_loop3A_309 = arith.constant 176 : index
      %parallel_loop3A_310 = tpu.vector_load %parallel_loop3A_307[%parallel_loop3A_308, %parallel_loop3A_309] {strides = array<i32>} : memref<50x256xf32, #tpu.memory_space<vmem>>, vector<16xf32>,
      tpu.vector_store %parallel_loop3A_307[%parallel_loop3A_308, %parallel_loop3A_309], %parallel_loop3A_303 {strides = array<i32>} : memref<50x256xf32, #tpu.memory_space<vmem>>, vector<16xf32>,
      %parallel_loop3A_311 = arith.constant 0 : i32
      %parallel_loop3A_312 = arith.constant 0 : i32
      %parallel_loop3A_313 = tpu.memref_slice %arg6[%parallel_loop3A_83, %parallel_loop3A_311, %parallel_loop3A_312] : memref<2x50x256xi32, #tpu.memory_space<vmem>> -> memref<1x50x256xi32, #tpu.memory_space<vmem>>
      %parallel_loop3A_314 = tpu.memref_squeeze %parallel_loop3A_313 : memref<1x50x256xi32, #tpu.memory_space<vmem>> -> memref<50x256xi32, #tpu.memory_space<vmem>>
      %parallel_loop3A_315 = arith.index_cast %parallel_loop3A_130 : i32 to index
      %parallel_loop3A_316 = arith.constant 192 : index
      %parallel_loop3A_317 = tpu.vector_load %parallel_loop3A_314[%parallel_loop3A_315, %parallel_loop3A_316] {strides = array<i32>} : memref<50x256xi32, #tpu.memory_space<vmem>>, vector<16xi32>,
      %parallel_loop3A_318 = tpu.vector_load_idx %arg5[%parallel_loop3A_317] : memref<64xf32, #tpu.memory_space<vmem>>[vector<16xi32>], vector<16xf32>,
      %parallel_loop3A_319 = arith.constant 0 : i32
      %parallel_loop3A_320 = arith.constant 0 : i32
      %parallel_loop3A_321 = tpu.memref_slice %arg7[%parallel_loop3A_84, %parallel_loop3A_319, %parallel_loop3A_320] : memref<2x50x256xf32, #tpu.memory_space<vmem>> -> memref<1x50x256xf32, #tpu.memory_space<vmem>>
      %parallel_loop3A_322 = tpu.memref_squeeze %parallel_loop3A_321 : memref<1x50x256xf32, #tpu.memory_space<vmem>> -> memref<50x256xf32, #tpu.memory_space<vmem>>
      %parallel_loop3A_323 = arith.index_cast %parallel_loop3A_130 : i32 to index
      %parallel_loop3A_324 = arith.constant 192 : index
      %parallel_loop3A_325 = tpu.vector_load %parallel_loop3A_322[%parallel_loop3A_323, %parallel_loop3A_324] {strides = array<i32>} : memref<50x256xf32, #tpu.memory_space<vmem>>, vector<16xf32>,
      tpu.vector_store %parallel_loop3A_322[%parallel_loop3A_323, %parallel_loop3A_324], %parallel_loop3A_318 {strides = array<i32>} : memref<50x256xf32, #tpu.memory_space<vmem>>, vector<16xf32>,
      %parallel_loop3A_326 = arith.constant 0 : i32
      %parallel_loop3A_327 = arith.constant 0 : i32
      %parallel_loop3A_328 = tpu.memref_slice %arg6[%parallel_loop3A_83, %parallel_loop3A_326, %parallel_loop3A_327] : memref<2x50x256xi32, #tpu.memory_space<vmem>> -> memref<1x50x256xi32, #tpu.memory_space<vmem>>
      %parallel_loop3A_329 = tpu.memref_squeeze %parallel_loop3A_328 : memref<1x50x256xi32, #tpu.memory_space<vmem>> -> memref<50x256xi32, #tpu.memory_space<vmem>>
      %parallel_loop3A_330 = arith.index_cast %parallel_loop3A_130 : i32 to index
      %parallel_loop3A_331 = arith.constant 208 : index
      %parallel_loop3A_332 = tpu.vector_load %parallel_loop3A_329[%parallel_loop3A_330, %parallel_loop3A_331] {strides = array<i32>} : memref<50x256xi32, #tpu.memory_space<vmem>>, vector<16xi32>,
      %parallel_loop3A_333 = tpu.vector_load_idx %arg5[%parallel_loop3A_332] : memref<64xf32, #tpu.memory_space<vmem>>[vector<16xi32>], vector<16xf32>,
      %parallel_loop3A_334 = arith.constant 0 : i32
      %parallel_loop3A_335 = arith.constant 0 : i32
      %parallel_loop3A_336 = tpu.memref_slice %arg7[%parallel_loop3A_84, %parallel_loop3A_334, %parallel_loop3A_335] : memref<2x50x256xf32, #tpu.memory_space<vmem>> -> memref<1x50x256xf32, #tpu.memory_space<vmem>>
      %parallel_loop3A_337 = tpu.memref_squeeze %parallel_loop3A_336 : memref<1x50x256xf32, #tpu.memory_space<vmem>> -> memref<50x256xf32, #tpu.memory_space<vmem>>
      %parallel_loop3A_338 = arith.index_cast %parallel_loop3A_130 : i32 to index
      %parallel_loop3A_339 = arith.constant 208 : index
      %parallel_loop3A_340 = tpu.vector_load %parallel_loop3A_337[%parallel_loop3A_338, %parallel_loop3A_339] {strides = array<i32>} : memref<50x256xf32, #tpu.memory_space<vmem>>, vector<16xf32>,
      tpu.vector_store %parallel_loop3A_337[%parallel_loop3A_338, %parallel_loop3A_339], %parallel_loop3A_333 {strides = array<i32>} : memref<50x256xf32, #tpu.memory_space<vmem>>, vector<16xf32>,
      %parallel_loop3A_341 = arith.constant 0 : i32
      %parallel_loop3A_342 = arith.constant 0 : i32
      %parallel_loop3A_343 = tpu.memref_slice %arg6[%parallel_loop3A_83, %parallel_loop3A_341, %parallel_loop3A_342] : memref<2x50x256xi32, #tpu.memory_space<vmem>> -> memref<1x50x256xi32, #tpu.memory_space<vmem>>
      %parallel_loop3A_344 = tpu.memref_squeeze %parallel_loop3A_343 : memref<1x50x256xi32, #tpu.memory_space<vmem>> -> memref<50x256xi32, #tpu.memory_space<vmem>>
      %parallel_loop3A_345 = arith.index_cast %parallel_loop3A_130 : i32 to index
      %parallel_loop3A_346 = arith.constant 224 : index
      %parallel_loop3A_347 = tpu.vector_load %parallel_loop3A_344[%parallel_loop3A_345, %parallel_loop3A_346] {strides = array<i32>} : memref<50x256xi32, #tpu.memory_space<vmem>>, vector<16xi32>,
      %parallel_loop3A_348 = tpu.vector_load_idx %arg5[%parallel_loop3A_347] : memref<64xf32, #tpu.memory_space<vmem>>[vector<16xi32>], vector<16xf32>,
      %parallel_loop3A_349 = arith.constant 0 : i32
      %parallel_loop3A_350 = arith.constant 0 : i32
      %parallel_loop3A_351 = tpu.memref_slice %arg7[%parallel_loop3A_84, %parallel_loop3A_349, %parallel_loop3A_350] : memref<2x50x256xf32, #tpu.memory_space<vmem>> -> memref<1x50x256xf32, #tpu.memory_space<vmem>>
      %parallel_loop3A_352 = tpu.memref_squeeze %parallel_loop3A_351 : memref<1x50x256xf32, #tpu.memory_space<vmem>> -> memref<50x256xf32, #tpu.memory_space<vmem>>
      %parallel_loop3A_353 = arith.index_cast %parallel_loop3A_130 : i32 to index
      %parallel_loop3A_354 = arith.constant 224 : index
      %parallel_loop3A_355 = tpu.vector_load %parallel_loop3A_352[%parallel_loop3A_353, %parallel_loop3A_354] {strides = array<i32>} : memref<50x256xf32, #tpu.memory_space<vmem>>, vector<16xf32>,
      tpu.vector_store %parallel_loop3A_352[%parallel_loop3A_353, %parallel_loop3A_354], %parallel_loop3A_348 {strides = array<i32>} : memref<50x256xf32, #tpu.memory_space<vmem>>, vector<16xf32>,
      %parallel_loop3A_356 = arith.constant 0 : i32
      %parallel_loop3A_357 = arith.constant 0 : i32
      %parallel_loop3A_358 = tpu.memref_slice %arg6[%parallel_loop3A_83, %parallel_loop3A_356, %parallel_loop3A_357] : memref<2x50x256xi32, #tpu.memory_space<vmem>> -> memref<1x50x256xi32, #tpu.memory_space<vmem>>
      %parallel_loop3A_359 = tpu.memref_squeeze %parallel_loop3A_358 : memref<1x50x256xi32, #tpu.memory_space<vmem>> -> memref<50x256xi32, #tpu.memory_space<vmem>>
      %parallel_loop3A_360 = arith.index_cast %parallel_loop3A_130 : i32 to index
      %parallel_loop3A_361 = arith.constant 240 : index
      %parallel_loop3A_362 = tpu.vector_load %parallel_loop3A_359[%parallel_loop3A_360, %parallel_loop3A_361] {strides = array<i32>} : memref<50x256xi32, #tpu.memory_space<vmem>>, vector<16xi32>,
      %parallel_loop3A_363 = tpu.vector_load_idx %arg5[%parallel_loop3A_362] : memref<64xf32, #tpu.memory_space<vmem>>[vector<16xi32>], vector<16xf32>,
      %parallel_loop3A_364 = arith.constant 0 : i32
      %parallel_loop3A_365 = arith.constant 0 : i32
      %parallel_loop3A_366 = tpu.memref_slice %arg7[%parallel_loop3A_84, %parallel_loop3A_364, %parallel_loop3A_365] : memref<2x50x256xf32, #tpu.memory_space<vmem>> -> memref<1x50x256xf32, #tpu.memory_space<vmem>>
      %parallel_loop3A_367 = tpu.memref_squeeze %parallel_loop3A_366 : memref<1x50x256xf32, #tpu.memory_space<vmem>> -> memref<50x256xf32, #tpu.memory_space<vmem>>
      %parallel_loop3A_368 = arith.index_cast %parallel_loop3A_130 : i32 to index
      %parallel_loop3A_369 = arith.constant 240 : index
      %parallel_loop3A_370 = tpu.vector_load %parallel_loop3A_367[%parallel_loop3A_368, %parallel_loop3A_369] {strides = array<i32>} : memref<50x256xf32, #tpu.memory_space<vmem>>, vector<16xf32>,
      tpu.vector_store %parallel_loop3A_367[%parallel_loop3A_368, %parallel_loop3A_369], %parallel_loop3A_363 {strides = array<i32>} : memref<50x256xf32, #tpu.memory_space<vmem>>, vector<16xf32>,
    } {sc.loop_unroll_factor = 2 : i64, sc.parallel_access}
    %add3A_85 = arith.constant 256 : i32
    %add3A_86 = arith.addi %mul3A_2, %add3A_85 : i32
    %dma_start3A_87 = arith.constant 1 : i32
    %dma_start3A_88 = arith.constant 0 : i32
    %dma_start3A_89 = arith.constant 0 : i32
    %dma_start3A_90 = tpu.memref_slice %arg7[%dma_start3A_87, %dma_start3A_88, %dma_start3A_89] : memref<2x50x256xf32, #tpu.memory_space<vmem>> -> memref<1x50x256xf32, #tpu.memory_space<vmem>>
    %dma_start3A_91 = tpu.memref_squeeze %dma_start3A_90 : memref<1x50x256xf32, #tpu.memory_space<vmem>> -> memref<50x256xf32, #tpu.memory_space<vmem>>
    %dma_start3A_92 = arith.constant 0 : i32
    %dma_start3A_93 = tpu.memref_slice %arg4[%dma_start3A_92, %add3A_86] : memref<50x16384xf32, #tpu.memory_space<hbm>> -> memref<50x256xf32, #tpu.memory_space<hbm>>
    %dma_start3A_94 = arith.constant 0 : i32
    %dma_start3A_95 = tpu.memref_slice %arg4[%dma_start3A_94, %add3A_86] : memref<50x16384xf32, #tpu.memory_space<hbm>> -> memref<50x256xf32, #tpu.memory_space<hbm>>
    %dma_start3A_96 = arith.constant 0 : i32
    %dma_start3A_97 = arith.constant 0 : i32
    %dma_start3A_98 = tpu.memref_slice %arg7[%dma_start3A_87, %dma_start3A_96, %dma_start3A_97] : memref<2x50x256xf32, #tpu.memory_space<vmem>> -> memref<1x50x256xf32, #tpu.memory_space<vmem>>
    %dma_start3A_99 = tpu.memref_squeeze %dma_start3A_98 : memref<1x50x256xf32, #tpu.memory_space<vmem>> -> memref<50x256xf32, #tpu.memory_space<vmem>>
    tpu.enqueue_dma source(%dma_start3A_99 : memref<50x256xf32, #tpu.memory_space<vmem>>) target(%dma_start3A_95 : memref<50x256xf32, #tpu.memory_space<hbm>>) target_semaphore(%arg11 : memref<!tpu.dma_semaphore, #tpu.memory_space<semaphore_mem>>)
    %add3A_100 = arith.constant 0 : i32
    %add3A_101 = arith.addi %mul3A_2, %add3A_100 : i32
    %dma_wait3A_102 = arith.constant 0 : i32
    %dma_wait3A_103 = arith.constant 0 : i32
    %dma_wait3A_104 = arith.constant 0 : i32
    %dma_wait3A_105 = tpu.memref_slice %arg7[%dma_wait3A_102, %dma_wait3A_103, %dma_wait3A_104] : memref<2x50x256xf32, #tpu.memory_space<vmem>> -> memref<1x50x256xf32, #tpu.memory_space<vmem>>
    %dma_wait3A_106 = tpu.memref_squeeze %dma_wait3A_105 : memref<1x50x256xf32, #tpu.memory_space<vmem>> -> memref<50x256xf32, #tpu.memory_space<vmem>>
    %dma_wait3A_107 = arith.constant 0 : i32
    %dma_wait3A_108 = tpu.memref_slice %arg4[%dma_wait3A_107, %add3A_101] : memref<50x16384xf32, #tpu.memory_space<hbm>> -> memref<50x256xf32, #tpu.memory_space<hbm>>
    %dma_wait3A_109 = arith.constant 0 : i32
    %dma_wait3A_110 = tpu.memref_slice %arg4[%dma_wait3A_109, %add3A_101] : memref<50x16384xf32, #tpu.memory_space<hbm>> -> memref<50x256xf32, #tpu.memory_space<hbm>>
    %dma_wait3A_111 = arith.constant 0 : i32
    %dma_wait3A_112 = arith.constant 0 : i32
    %dma_wait3A_113 = tpu.memref_slice %arg7[%dma_wait3A_102, %dma_wait3A_111, %dma_wait3A_112] : memref<2x50x256xf32, #tpu.memory_space<vmem>> -> memref<1x50x256xf32, #tpu.memory_space<vmem>>
    %dma_wait3A_114 = tpu.memref_squeeze %dma_wait3A_113 : memref<1x50x256xf32, #tpu.memory_space<vmem>> -> memref<50x256xf32, #tpu.memory_space<vmem>>
    tpu.wait_dma2 semaphore(%arg10 : memref<!tpu.dma_semaphore, #tpu.memory_space<semaphore_mem>>) src(%dma_wait3A_114 : memref<50x256xf32, #tpu.memory_space<vmem>>) dst(%dma_wait3A_110 : memref<50x256xf32, #tpu.memory_space<hbm>>)
    %add3A_115 = arith.constant 256 : i32
    %add3A_116 = arith.addi %mul3A_2, %add3A_115 : i32
    %dma_wait3A_117 = arith.constant 1 : i32
    %dma_wait3A_118 = arith.constant 0 : i32
    %dma_wait3A_119 = arith.constant 0 : i32
    %dma_wait3A_120 = tpu.memref_slice %arg7[%dma_wait3A_117, %dma_wait3A_118, %dma_wait3A_119] : memref<2x50x256xf32, #tpu.memory_space<vmem>> -> memref<1x50x256xf32, #tpu.memory_space<vmem>>
    %dma_wait3A_121 = tpu.memref_squeeze %dma_wait3A_120 : memref<1x50x256xf32, #tpu.memory_space<vmem>> -> memref<50x256xf32, #tpu.memory_space<vmem>>
    %dma_wait3A_122 = arith.constant 0 : i32
    %dma_wait3A_123 = tpu.memref_slice %arg4[%dma_wait3A_122, %add3A_116] : memref<50x16384xf32, #tpu.memory_space<hbm>> -> memref<50x256xf32, #tpu.memory_space<hbm>>
    %dma_wait3A_124 = arith.constant 0 : i32
    %dma_wait3A_125 = tpu.memref_slice %arg4[%dma_wait3A_124, %add3A_116] : memref<50x16384xf32, #tpu.memory_space<hbm>> -> memref<50x256xf32, #tpu.memory_space<hbm>>
    %dma_wait3A_126 = arith.constant 0 : i32
    %dma_wait3A_127 = arith.constant 0 : i32
    %dma_wait3A_128 = tpu.memref_slice %arg7[%dma_wait3A_117, %dma_wait3A_126, %dma_wait3A_127] : memref<2x50x256xf32, #tpu.memory_space<vmem>> -> memref<1x50x256xf32, #tpu.memory_space<vmem>>
    %dma_wait3A_129 = tpu.memref_squeeze %dma_wait3A_128 : memref<1x50x256xf32, #tpu.memory_space<vmem>> -> memref<50x256xf32, #tpu.memory_space<vmem>>
    tpu.wait_dma2 semaphore(%arg11 : memref<!tpu.dma_semaphore, #tpu.memory_space<semaphore_mem>>) src(%dma_wait3A_129 : memref<50x256xf32, #tpu.memory_space<vmem>>) dst(%dma_wait3A_125 : memref<50x256xf32, #tpu.memory_space<hbm>>)
    return
  }
}

</mosaic_0001>

<sc_bundles>
// kernel: kernel.3.cloned.1.call-start
scs
__scs_entry_jumppad:
0x0: {  	(pc) =	sbr.rel $0x88, $3  }
0x1: {  	(tag) =	ssettag $0x0;
	lr =	simm.s32 $0x1  }
0x2: {  	[smem:$0x3F9F] =	sst lr;
	_ =	strace $0xD0000000  }
0x3: {  	_ = 	snop  }
0x4: {  	_ = 	snop  }
0x5: {  	_ = 	snop  }
0x6: {  	_ = 	snop  }
0x7: {  	_ = 	snop  }
__scs_overlays_trampoline_lowered:
0x8: {  	[smem:$0x3FAE] =	sst s0  }
0x9: {  	[smem:$0x3FAF] =	sst s1  }
0xa: {  	[smem:$0x3FB0] =	sst s2  }
0xb: {  	[smem:$0x3FB1] =	sst s3  }
0xc: {  	[smem:$0x3FB2] =	sst s4  }
0xd: {  	[smem:$0x3FB3] =	sst s5  }
0xe: {  	[smem:$0x3FB4] =	sst s6  }
0xf: {  	[smem:$0x3FB5] =	sst s7  }
0x10: {  	[smem:$0x3FB6] =	sst s8  }
0x11: {  	[smem:$0x3FB7] =	sst s9;
	s0 =	simm.s32 @!p0 $0x0  }
0x12: {  	s1 =	sld [smem:$0x3F9D];
	s0 =	simm.s32 @p0 $0x1  }
0x13: {  	[smem:$0x3FB8] =	sst s0;
	s0 =	simm.s32 @!p1 $0x0  }
0x14: {  	s2 =	sld [smem:$0x3F9C];
	s0 =	simm.s32 @p1 $0x1  }
0x15: {  	[smem:$0x3FB9] =	sst s0;
	s0 =	simm.s32 @!p2 $0x0  }
0x16: {  	s3 =	sld [smem:$0x3FDB];
	s0 =	simm.s32 @p2 $0x1  }
0x17: {  	s4 =	simm.s32 $0x1BF5;
	[smem:$0x3FBB] =	sst s0  }
0x18: {  	s0 =	sld [smem:$0x3F9E];
	_ =	swait.ge [sflag:s4], $0x0  }
0x19: {  	s7 =	sld [smem:$0x3F9F]  }
0x1a: {  	s8 =	sadd.s32 $0xFFFFE003, lr  }
0x1b: {  	s9 =	sadd.s32 $0xFFFFFEF7, lr;
	s5 =	simm.s32 $0xFFFFFFFF;
	p2 =	slt.u32 s8, $0xFFFFF086  }
0x1c: {  	p1 =	slt.u32 s9, $0xF7A;
	s5 =	simm.s32 @!p2 $0x0  }
0x1d: {  	s5 =	simm.s32 @p1 $0x1;
	p0 =	seq.s32 s7, s2  }
0x1e: {  	s7 =	smul.u32 @!p0 $0xF7A, s2;
	p2 =	seq.s32 @!p0 s5, $0x0  }
0x1f: {  	s9 =	smul.u32 $0xF7A, s1;
	s8 =	simm.s32 @!p0 $0x1BF5;
	p2 =	por !p2, p0  }
0x20: {  	[sflag:s8] =	ssyncset.s32 @!p0 $0xFFFFF086;
	s6 =	sadd.s32 @!p0 s3, s7;
	s7 =	simm.s32 @!p0 $0x108  }
0x21: {  	s3 =	sadd.s32 s3, s9;
	s6 =	sadd.s32 @!p0 $0x88, s6;
	s7 =	simm.s32 @p2 $0x1082  }
0x22: {  	[simem:s7], [sflag:s8] =	dma.local @!p0 [hbm:s6], $0xF7A  }
0x23: {  	s9 =	sor.u32 $0xD0000000, s2;
	s6 =	simm.s32 $0x108;
	_ =	swait.ge @!p0 [sflag:s8], $0x0  }
0x24: {  	s3 =	sadd.s32 $0x88, s3;
	s6 =	simm.s32 @!p1 $0x1082;
	[sflag:s4] =	ssyncset.s32 $0xFFFFF086  }
0x25: {  	[simem:s6], [sflag:s4] =	dma.local [hbm:s3], $0xF7A  }
0x26: {  	[smem:$0x3F9F] =	sst s1;
	(tag) =	ssettag s2;
	_ =	strace s9  }
0x27: {  	s1 =	sld [smem:$0x3FAF]  }
0x28: {  	s2 =	sld [smem:$0x3FB0]  }
0x29: {  	s4 =	sld [smem:$0x3FB2]  }
0x2a: {  	p0 =	seq.s32 s5, $0x0;
	s5 =	sld [smem:$0x3FB3]  }
0x2b: {  	s6 =	sld [smem:$0x3FB4]  }
0x2c: {  	s7 =	sld [smem:$0x3FB5]  }
0x2d: {  	s3 =	simm.s32 $0x108;
	s8 =	sld [smem:$0x3FB6]  }
0x2e: {  	s3 =	simm.s32 @!p0 $0x1082;
	s9 =	sld [smem:$0x3FB7]  }
0x2f: {  	lr =	sadd.s32 s0, s3;
	s0 =	sld [smem:$0x3FAE]  }
0x30: {  	s3 =	sld [smem:$0x3FB1]  }
0x31: {  	[smem:$0x3FBA] =	sst s10  }
0x32: {  	s10 =	sld [smem:$0x3FB8];
	_ =	sdelay $0x3  }
0x33: {  	p0 =	seq.s32 s10, $0x1;
	s10 =	sld [smem:$0x3FBA];
	_ =	sdelay $0x3  }
0x34: {  	[smem:$0x3FBA] =	sst s10  }
0x35: {  	s10 =	sld [smem:$0x3FB9];
	_ =	sdelay $0x3  }
0x36: {  	p1 =	seq.s32 s10, $0x1;
	s10 =	sld [smem:$0x3FBA];
	_ =	sdelay $0x3  }
0x37: {  	[smem:$0x3FBA] =	sst s10  }
0x38: {  	s10 =	sld [smem:$0x3FBB]  }
0x39: {  	_ = 	snop;
	(pc) =	sbr.ind lr, $3  }
0x3a: {  	_ = 	snop  }
0x3b: {  	_ = 	snop  }
0x3c: {  	p2 =	seq.s32 s10, $0x1;
	s10 =	sld [smem:$0x3FBA]  }
0x3d: {  	_ =	shalt  }
0x3e: {  	_ =	shalt  }
0x3f: {  	_ =	shalt  }
0x40: {  	_ =	shalt  }
0x41: {  	_ =	shalt  }
0x42: {  	_ =	shalt  }
0x43: {  	_ =	shalt  }
0x44: {  	_ =	shalt  }
0x45: {  	_ =	shalt  }
0x46: {  	_ =	shalt  }
0x47: {  	_ =	shalt  }
0x48: {  	_ =	shalt  }
0x49: {  	_ =	shalt  }
0x4a: {  	_ =	shalt  }
0x4b: {  	_ =	shalt  }
0x4c: {  	_ =	shalt  }
0x4d: {  	_ =	shalt  }
0x4e: {  	_ =	shalt  }
0x4f: {  	_ =	shalt  }
0x50: {  	_ =	shalt  }
0x51: {  	_ =	shalt  }
0x52: {  	_ =	shalt  }
0x53: {  	_ =	shalt  }
0x54: {  	_ =	shalt  }
0x55: {  	_ =	shalt  }
0x56: {  	_ =	shalt  }
0x57: {  	_ =	shalt  }
0x58: {  	_ =	shalt  }
0x59: {  	_ =	shalt  }
0x5a: {  	_ =	shalt  }
0x5b: {  	_ =	shalt  }
0x5c: {  	_ =	shalt  }
0x5d: {  	_ =	shalt  }
0x5e: {  	_ =	shalt  }
0x5f: {  	_ =	shalt  }
0x60: {  	_ =	shalt  }
0x61: {  	_ =	shalt  }
0x62: {  	_ =	shalt  }
0x63: {  	_ =	shalt  }
0x64: {  	_ =	shalt  }
0x65: {  	_ =	shalt  }
0x66: {  	_ =	shalt  }
0x67: {  	_ =	shalt  }
0x68: {  	_ =	shalt  }
0x69: {  	_ =	shalt  }
0x6a: {  	_ =	shalt  }
0x6b: {  	_ =	shalt  }
0x6c: {  	_ =	shalt  }
0x6d: {  	_ =	shalt  }
0x6e: {  	_ =	shalt  }
0x6f: {  	_ =	shalt  }
0x70: {  	_ =	shalt  }
0x71: {  	_ =	shalt  }
0x72: {  	_ =	shalt  }
0x73: {  	_ =	shalt  }
0x74: {  	_ =	shalt  }
0x75: {  	_ =	shalt  }
0x76: {  	_ =	shalt  }
0x77: {  	_ =	shalt  }
0x78: {  	_ =	shalt  }
0x79: {  	_ =	shalt  }
0x7a: {  	_ =	shalt  }
0x7b: {  	_ =	shalt  }
0x7c: {  	_ =	shalt  }
0x7d: {  	_ =	shalt  }
0x7e: {  	_ =	shalt  }
0x7f: {  	_ =	shalt  }
0x80: {  	_ =	shalt  }
0x81: {  	_ =	shalt  }
0x82: {  	_ =	shalt  }
0x83: {  	_ =	shalt  }
0x84: {  	_ =	shalt  }
0x85: {  	_ =	shalt  }
0x86: {  	_ =	shalt  }
0x87: {  	_ =	shalt  }
.Lfunc_end0:
.L_simem_size_0:
called_computation_lowered:
.L_overlay_start_0:
0x88: {  	s2 =	sld [smem:$0x3FD9]  }
0x89: {  	s3 =	sld [smem:$0x3FFE];
	_ =	sdelay $0x1  }
0x8a: {  	s1 =	srdreg.scid  }
0x8b: {  	s0 =	sand.u32 $0x1, s1  }
0x8c: {  	s18 =	sshll.u32 s0, $0xA;
	s2 =	sadd.s32 s3, s2  }
0x8d: {  	s2 =	sadd.s32 s2, s18  }
0x8e: {  	[smem:$0x3FC6] =	sst s2  }
0x8f: {  	_ = 	snop  }
0x90: {  	s2 =	sld [smem:$0x3FC9]  }
0x91: {  	s19 =	sld [smem:$0x3FC8]  }
0x92: {  	s4 =	sld [smem:$0x3FD0];
	(tm) =	ssettm $0x1  }
0x93: {  	s5 =	sld [smem:$0x3FFB];
	_ =	sdelay $0x3  }
0x94: {  	_ =	strace s5  }
0x95: {  	s5 =	sld [smem:$0x3FFC];
	_ =	sdelay $0x3  }
0x96: {  	_ =	strace s5  }
0x97: {  	s5 =	sld [smem:$0x3FFD];
	_ =	sdelay $0x3  }
0x98: {  	_ =	strace s5  }
0x99: {  	_ =	strace $0x8FFFFFFF  }
0x9a: {  	s20 =	sld [smem:$0x3FDB];
	_ =	sdelay $0x1  }
0x9b: {  	s6 =	simm.s32 $_scs_section_size  }
0x9c: {  	s7 =	simm.s32 $_size__tile_overlayer_lowered;
	s8 =	simm.s32 $_tile_overlayer_lowered  }
0x9d: {  	s23 =	simm.s32 $0x1BFF;
	s22 =	sshll.u32 s8, $0x1;
	s5 =	sadd.s32 s6, s20  }
0x9e: {  	s9 =	simm.s32 $0x0;
	s21 =	sshll.u32 s7, $0x1;
	s7 =	sadd.s32 s22, s5  }
0x9f: {  	[timem:s9], [sflag:s23] =	dma.local [hbm:s7], s21  }
0xa0: {  	_ =	swait.ge [sflag:s23], s21  }
0xa1: {  	s6 =	ssub.s32 $0x0, s21;
	[sflag:s23] =	ssyncset.done $0x0  }
0xa2: {  	[sflag:s23] =	ssyncadd.s32 s6;
	_ =	sdelay $0x1  }
0xa3: {  	s24 =	simm.s32 $0x1B8B  }
0xa4: {  	_ =	swait.ge [sflag:s24], $0x1  }
0xa5: {  	[sflag:s24] =	ssyncset.done $0x0  }
0xa6: {  	s25 =	simm.s32 $0x1B8E;
	[sflag:s24] =	ssyncadd.s32 $0xFFFFFFFF  }
0xa7: {  	s26 =	simm.s32 $execute0_lowered;
	[smem:$0x3FD2] =	sst s25  }
0xa8: {  	s6 =	sshll.u32 s26, $0x1;
	_ =	strace $0x80000046;
	[dreg:$0x1] =	wrdreg $0xFFFFFFFF  }
0xa9: {  	s28 =	simm.s32 $_size_execute0_lowered;
	s5 =	sadd.s32 s5, s6;
	[dreg:$0x0] =	wrdreg $0x0  }
0xaa: {  	s6 =	sshll.u32 s28, $0x1;
	[dreg:$0x2] =	wrdreg s5  }
0xab: {  	[dreg:$0x3] =	wrdreg s6  }
0xac: {  	[dreg:$0x4] =	wrdreg $0xC0  }
0xad: {  	_ =	task [dreg:s9], $0x5FFFF  }
0xae: {  	[dreg:$0x1] =	wrdreg $0xFFFFFFFF  }
0xaf: {  	[dreg:$0x0] =	wrdreg $0x60  }
0xb0: {  	[dreg:$0x2] =	wrdreg s2  }
0xb1: {  	[dreg:$0x3] =	wrdreg s19  }
0xb2: {  	[dreg:$0x4] =	wrdreg s4  }
0xb3: {  	[dreg:$0x5] =	wrdreg $0x9  }
0xb4: {  	_ =	task.clear_ibuf [dreg:s9], $0x6FFFF;
	_ =	strace $0x90000046  }
0xb5: {  	s29 =	simm.s32 $0x9;
	_ =	strace $0x80000048  }
0xb6: {  	_ =	swait.ge [sflag:s29], $0x1  }
0xb7: {  	[sflag:s29] =	ssyncadd.s32 $0xFFFFFFFF  }
0xb8: {  	_ =	strace $0x90000048  }
0xb9: {  	_ =	sfence  }
0xba: {  	s30 =	sld [smem:$0x0];
	_ =	sdelay $0x2  }
0xbb: {  	s31 =	sshll.u32 s1, $0xD;
	s1 =	sshrl.u32 s1, $0x2  }
0xbc: {  	s3 =	sand.u32 $0x4000, s31;
	s1 =	sadd.s32 s1, s30  }
0xbd: {  	s0 =	sor.u32 s3, s0;
	s1 =	sshll.u32 s1, $0x11  }
0xbe: {  	s0 =	sor.u32 s1, s0  }
0xbf: {  	s0 =	sadd.s32 $0x8F2B, s0  }
0xc0: {  	[sflag:s0] =	ssyncadd.remote.s32 $0x1  }
0xc1: {  	_ =	sfence.sel $0xFFFF  }
0xc2: {  	[dreg:$0x0] =	wrdreg $0xFFFFFFFF;
	(pc) =	sbr.abs _section_cstart, $3  }
0xc3: {  	[dreg:$0x1] =	wrdreg $0xFFFFFFFF  }
0xc4: {  	_ =	task.clear_ibuf [dreg:s9], $0x2FFFF;
	_ =	strace $0x9FFFFFFF  }
0xc5: {  	(tm) =	ssettm $0x7FFFFFFF  }
tec
execute0_lowered:
.L_overlay_start_1:
0x0: {  	(tag) =	ssettag $0x1  }
0x1: {  	s5 =	rddreg [dreg:$0x0]  }
0x2: {  	s2 =	rddreg [dreg:$0x1]  }
0x3: {  	s7 =	rddreg [dreg:$0x2];
	s3 =	srdreg.scid  }
0x4: {  	s0 =	rddreg [dreg:$0x3];
	s1 =	stileid.u32;
	s10 =	simm.s32 $0x20000  }
0x5: {  	s11 =	simm.s32 $0x80;
	s12 =	simm.s32 $0x3880;
	s13 =	simm.s32 $0x5  }
0x6: {  	s14 =	simm.s32 $0x1;
	s15 =	simm.s32 $0x7080;
	s16 =	simm.s32 $0x2  }
0x7: {  	s17 =	simm.s32 $0xA880;
	s18 =	simm.s32 $0x3;
	s19 =	simm.s32 $0x4  }
0x8: {  	s20 =	simm.s32 $0x0;
	s4 =	sand.u32 $0x1, s3;
	s3 =	simm.s32 $0x0  }
0x9: {  	s6 =	sshll.u32 s1, $0xA;
	s8 =	sshll.u32 s4, $0x9;
	s4 =	ssub.s32 $0x2, s4  }
0xa: {  	[smem:$0x7FF] =	sst s3;
	s6 =	sor.u32 s8, s6;
	s31 =	sshrl.u32 s4, $0x1  }
0xb: {  	_ =	strace $0x80000047;
	s9 =	sor.u32 $0x100, s6;
	s8 =	ssub.s32 s4, s31  }
0xc: {  	s4 =	sadd.s32 s5, s6;
	s6 =	sadd.s32 s7, s6;
	s5 =	sadd.s32 s5, s9  }
0xd: {  	s7 =	sadd.s32 s7, s9;
	s8 =	smax.u32 s8, $0x1;
	s9 =	simm.s32 $0x800  }
.LBB2_1:
0xe: {  	[tilespmem:s11], [sflag:$0x1] =	stream.strided.gather [hbm4b:s4+s9], $0x3800, s10, s9, $0x38;
	[tilespmem:$0xE080] =	vst v63  }
0xf: {  	_ = 	snop  }
0x10: {  	[tilespmem:s12], [sflag:$0x2] =	stream.strided.gather [hbm4b:s5+s9], $0x3800, s10, s9, $0x38;
	[tilespmem:$0xE080] =	vst v63  }
0x11: {  	_ = 	snop  }
0x12: {  	[tilespmem:s3], [sflag:$0x5] =	stream.linear.gather [hbm4b:s2+s3], $0x32, $0x38;
	[tilespmem:$0xE080] =	vst v63  }
0x13: {  	_ =	swait.ge [sflag:s13], $0x32  }
0x14: {  	[sflag:s13] =	ssyncset.done $0x0  }
0x15: {  	[sflag:s13] =	ssyncadd.s32 $0xFFFFFFCE  }
0x16: {  	_ =	swait.ge [sflag:s14], $0x3800  }
0x17: {  	s21 =	sand.u32 $0x3800, s3;
	s22 =	sand.u32 $0x300, s3;
	[sflag:s14] =	ssyncset.done $0x0  }
0x18: {  	s21 =	sor.u32 s22, s21;
	[sflag:s14] =	ssyncadd.s32 $0xFFFFC800  }
0x19: {  	v0 =	vld [tilespmem:s21+$0x100]  }
0x1a: {  	v1 =	vld [tilespmem:s21+$0x80]  }
0x1b: {  	v2 =	vld [tilespmem:s21+$0x110]  }
0x1c: {  	v3 =	vld [tilespmem:s21+$0x90]  }
0x1d: {  	v4 =	vld [tilespmem:s21+$0xA0]  }
0x1e: {  	v5 =	vld [tilespmem:s21+$0xB0]  }
0x1f: {  	v6 =	vld [tilespmem:s21+$0x120]  }
0x20: {  	v7 =	vld [tilespmem:s21+$0xC0]  }
0x21: {  	v8 =	vld [tilespmem:s21+$0xE0]  }
0x22: {  	s29 =	simm.s32 $0x100;
	s23 =	simm.s32 $0x200;
	v9 =	vld [tilespmem:s21+$0x480]  }
0x23: {  	s23 =	sand.u32 $0x3800, s23;
	s22 =	sand.u32 $0x300, s29;
	v10 =	vld [tilespmem:s21+$0x4C0]  }
0x24: {  	s22 =	sor.u32 s22, s23;
	v11 =	vld [tilespmem:s21+$0x500]  }
0x25: {  	v12 =	vld [tilespmem:s22+$0x100]  }
0x26: {  	v13 =	vld [tilespmem:s22+$0x90]  }
0x27: {  	v14 =	vld [tilespmem:s22+$0xA0]  }
0x28: {  	v15 =	vld [tilespmem:s22+$0xB0]  }
0x29: {  	v16 =	vld [tilespmem:s21+$0x520]  }
0x2a: {  	v0 =	vld.idx.msk [tilespmem:v0+s3+$0x0], $0xffff  }
0x2b: {  	v17 =	vld [tilespmem:s22+$0x110]  }
0x2c: {  	v18 =	vld [tilespmem:s22+$0xD0]  }
0x2d: {  	v1 =	vld.idx.msk [tilespmem:v1+s3+$0x0], $0xffff  }
0x2e: {  	v19 =	vld [tilespmem:s21+$0x530]  }
0x2f: {  	v20 =	vld [tilespmem:s22+$0x120];
	[tilespmem:s21+$0x7100] =	vst v0  }
0x30: {  	v0 =	vld.idx.msk [tilespmem:v2+s3+$0x0], $0xffff  }
0x31: {  	v21 =	vld [tilespmem:s22+$0x130]  }
0x32: {  	s30 =	simm.s32 $0x200;
	s24 =	simm.s32 $0x400;
	v44 =	vld [tilespmem:s22+$0x520];
	[tilespmem:s21+$0x7080] =	vst v1  }
0x33: {  	s24 =	sand.u32 $0x3800, s24;
	s23 =	sand.u32 $0x300, s30;
	v1 =	vld.idx.msk [tilespmem:v3+s3+$0x0], $0xffff  }
0x34: {  	s23 =	sor.u32 s23, s24;
	v3 =	vld [tilespmem:s21+$0x130]  }
0x35: {  	v45 =	vld [tilespmem:s23+$0x110];
	[tilespmem:s21+$0x7110] =	vst v0  }
0x36: {  	v0 =	vld.idx.msk [tilespmem:v6+s3+$0x0], $0xffff  }
0x37: {  	v22 =	vld [tilespmem:s23+$0xD0]  }
0x38: {  	v23 =	vld [tilespmem:s22+$0x530];
	[tilespmem:s21+$0x7090] =	vst v1  }
0x39: {  	v1 =	vld.idx.msk [tilespmem:v4+s3+$0x0], $0xffff  }
0x3a: {  	v4 =	vld [tilespmem:s21+$0x140]  }
0x3b: {  	v24 =	vld [tilespmem:s23+$0x120];
	[tilespmem:s21+$0x7120] =	vst v0  }
0x3c: {  	v0 =	vld.idx.msk [tilespmem:v3+s3+$0x0], $0xffff  }
0x3d: {  	v46 =	vld [tilespmem:s23+$0xF0]  }
0x3e: {  	v47 =	vld [tilespmem:s22+$0x540];
	[tilespmem:s21+$0x70A0] =	vst v1  }
0x3f: {  	v1 =	vld.idx.msk [tilespmem:v5+s3+$0x0], $0xffff  }
0x40: {  	v3 =	vld [tilespmem:s21+$0x150]  }
0x41: {  	v25 =	vld [tilespmem:s23+$0x130];
	[tilespmem:s21+$0x7130] =	vst v0  }
0x42: {  	v0 =	vld.idx.msk [tilespmem:v4+s3+$0x0], $0xffff  }
0x43: {  	v2 =	vld [tilespmem:s21+$0xD0]  }
0x44: {  	v48 =	vld [tilespmem:s23+$0x140];
	[tilespmem:s21+$0x70B0] =	vst v1  }
0x45: {  	v1 =	vld.idx.msk [tilespmem:v7+s3+$0x0], $0xffff  }
0x46: {  	v5 =	vld [tilespmem:s21+$0x160]  }
0x47: {  	s31 =	simm.s32 $0x300;
	s25 =	simm.s32 $0x600;
	v49 =	vld [tilespmem:s23+$0x150];
	[tilespmem:s21+$0x7140] =	vst v0  }
0x48: {  	s25 =	sand.u32 $0x3800, s25;
	s24 =	sand.u32 $0x300, s31;
	v0 =	vld.idx.msk [tilespmem:v3+s3+$0x0], $0xffff  }
0x49: {  	s24 =	sor.u32 s24, s25;
	v50 =	vld [tilespmem:s23+$0x4C0]  }
0x4a: {  	v51 =	vld [tilespmem:s24+$0xA0];
	[tilespmem:s21+$0x70C0] =	vst v1  }
0x4b: {  	v1 =	vld.idx.msk [tilespmem:v2+s3+$0x0], $0xffff  }
0x4c: {  	v2 =	vld [tilespmem:s21+$0x170]  }
0x4d: {  	v52 =	vld [tilespmem:s24+$0xB0];
	[tilespmem:s21+$0x7150] =	vst v0  }
0x4e: {  	v0 =	vld.idx.msk [tilespmem:v5+s3+$0x0], $0xffff  }
0x4f: {  	v6 =	vld [tilespmem:s21+$0xF0]  }
0x50: {  	v53 =	vld [tilespmem:s23+$0x520];
	[tilespmem:s21+$0x70D0] =	vst v1  }
0x51: {  	v1 =	vld.idx.msk [tilespmem:v8+s3+$0x0], $0xffff  }
0x52: {  	v54 =	vld [tilespmem:s24+$0x110]  }
0x53: {  	v55 =	vld [tilespmem:s24+$0xD0];
	[tilespmem:s21+$0x7160] =	vst v0  }
0x54: {  	v2 =	vld.idx.msk [tilespmem:v2+s3+$0x0], $0xffff  }
0x55: {  	v26 =	vld [tilespmem:s23+$0x530]  }
0x56: {  	v27 =	vld [tilespmem:s24+$0x120];
	[tilespmem:s21+$0x70E0] =	vst v1  }
0x57: {  	v1 =	vld.idx.msk [tilespmem:v6+s3+$0x0], $0xffff  }
0x58: {  	v6 =	vld [tilespmem:s21+$0x510]  }
0x59: {  	v56 =	vld [tilespmem:s24+$0xF0];
	[tilespmem:s21+$0x7170] =	vst v2  }
0x5a: {  	v2 =	vld.idx.msk [tilespmem:v11+s3+$0x0], $0xffff  }
0x5b: {  	v11 =	vld [tilespmem:s22+$0x80]  }
0x5c: {  	v57 =	vld [tilespmem:s23+$0x540]  }
0x5d: {  	v28 =	vld [tilespmem:s24+$0x130]  }
0x5e: {  	v59 =	vld [tilespmem:s23+$0x560]  }
0x5f: {  	v60 =	vld [tilespmem:s24+$0x150];
	[tilespmem:s21+$0x7500] =	vst v2  }
0x60: {  	v2 =	vld.idx.msk [tilespmem:v6+s3+$0x0], $0xffff  }
0x61: {  	v6 =	vld.idx.msk [tilespmem:v12+s3+$0x0], $0xffff  }
0x62: {  	v61 =	vld [tilespmem:s24+$0x160]  }
0x63: {  	v11 =	vld.idx.msk [tilespmem:v11+s3+$0x0], $0xffff  }
0x64: {  	v4 =	vld [tilespmem:s21+$0x490]  }
0x65: {  	v7 =	vld [tilespmem:s21+$0x4A0]  }
0x66: {  	v5 =	vld [tilespmem:s21+$0x4B0];
	[tilespmem:s22+$0x7100] =	vst v6  }
0x67: {  	[tilespmem:s21+$0x7510] =	vst v2;
	v6 =	vld.idx.msk [tilespmem:v17+s3+$0x0], $0xffff  }
0x68: {  	v2 =	vld.idx.msk [tilespmem:v16+s3+$0x0], $0xffff;
	[tilespmem:s22+$0x7080] =	vst v11  }
0x69: {  	[tilespmem:s21+$0x70F0] =	vst v1;
	v11 =	vld.idx.msk [tilespmem:v13+s3+$0x0], $0xffff  }
0x6a: {  	v1 =	vld.idx.msk [tilespmem:v9+s3+$0x0], $0xffff  }
0x6b: {  	v9 =	vld [tilespmem:s21+$0x550]  }
0x6c: {  	v17 =	vld [tilespmem:s21+$0x540];
	[tilespmem:s22+$0x7110] =	vst v6  }
0x6d: {  	[tilespmem:s21+$0x7520] =	vst v2;
	v6 =	vld.idx.msk [tilespmem:v20+s3+$0x0], $0xffff  }
0x6e: {  	v2 =	vld.idx.msk [tilespmem:v19+s3+$0x0], $0xffff;
	[tilespmem:s22+$0x7090] =	vst v11  }
0x6f: {  	v11 =	vld.idx.msk [tilespmem:v14+s3+$0x0], $0xffff  }
0x70: {  	v12 =	vld [tilespmem:s22+$0xC0]  }
0x71: {  	[tilespmem:s21+$0x7480] =	vst v1;
	v19 =	vld [tilespmem:s22+$0x140]  }
0x72: {  	v1 =	vld.idx.msk [tilespmem:v4+s3+$0x0], $0xffff;
	[tilespmem:s22+$0x7120] =	vst v6  }
0x73: {  	[tilespmem:s21+$0x7530] =	vst v2;
	v6 =	vld.idx.msk [tilespmem:v21+s3+$0x0], $0xffff  }
0x74: {  	v2 =	vld.idx.msk [tilespmem:v17+s3+$0x0], $0xffff;
	[tilespmem:s22+$0x70A0] =	vst v11  }
0x75: {  	v11 =	vld.idx.msk [tilespmem:v15+s3+$0x0], $0xffff  }
0x76: {  	v4 =	vld [tilespmem:s21+$0x560]  }
0x77: {  	[tilespmem:s21+$0x7490] =	vst v1;
	v17 =	vld [tilespmem:s22+$0x150]  }
0x78: {  	v1 =	vld.idx.msk [tilespmem:v7+s3+$0x0], $0xffff;
	[tilespmem:s22+$0x7130] =	vst v6  }
0x79: {  	[tilespmem:s21+$0x7540] =	vst v2;
	v6 =	vld.idx.msk [tilespmem:v19+s3+$0x0], $0xffff  }
0x7a: {  	v2 =	vld.idx.msk [tilespmem:v9+s3+$0x0], $0xffff;
	[tilespmem:s22+$0x70B0] =	vst v11  }
0x7b: {  	v9 =	vld.idx.msk [tilespmem:v12+s3+$0x0], $0xffff  }
0x7c: {  	v3 =	vld [tilespmem:s21+$0x4E0]  }
0x7d: {  	v7 =	vld [tilespmem:s22+$0x160];
	[tilespmem:s21+$0x74A0] =	vst v1  }
0x7e: {  	v13 =	vld [tilespmem:s22+$0xE0];
	[tilespmem:s22+$0x7140] =	vst v6  }
0x7f: {  	[tilespmem:s21+$0x7550] =	vst v2;
	v2 =	vld.idx.msk [tilespmem:v17+s3+$0x0], $0xffff  }
0x80: {  	v5 =	vld.idx.msk [tilespmem:v5+s3+$0x0], $0xffff;
	[tilespmem:s22+$0x70C0] =	vst v9  }
0x81: {  	v6 =	vld.idx.msk [tilespmem:v18+s3+$0x0], $0xffff  }
0x82: {  	v4 =	vld.idx.msk [tilespmem:v4+s3+$0x0], $0xffff  }
0x83: {  	v8 =	vld [tilespmem:s21+$0x4D0]  }
0x84: {  	v1 =	vld [tilespmem:s22+$0x170];
	[tilespmem:s22+$0x7150] =	vst v2  }
0x85: {  	[tilespmem:s21+$0x74B0] =	vst v5;
	v2 =	vld.idx.msk [tilespmem:v7+s3+$0x0], $0xffff  }
0x86: {  	v0 =	vld [tilespmem:s21+$0x4F0];
	[tilespmem:s22+$0x70D0] =	vst v6  }
0x87: {  	[tilespmem:s21+$0x7560] =	vst v4;
	v4 =	vld.idx.msk [tilespmem:v13+s3+$0x0], $0xffff  }
0x88: {  	v5 =	vld.idx.msk [tilespmem:v10+s3+$0x0], $0xffff  }
0x89: {  	v16 =	vld [tilespmem:s22+$0xF0]  }
0x8a: {  	[tilespmem:s22+$0x7160] =	vst v2;
	v2 =	vld [tilespmem:s22+$0x500]  }
0x8b: {  	v14 =	vld [tilespmem:s22+$0x480]  }
0x8c: {  	[tilespmem:s22+$0x70E0] =	vst v4;
	v4 =	vld.idx.msk [tilespmem:v1+s3+$0x0], $0xffff  }
0x8d: {  	v15 =	vld [tilespmem:s22+$0x490];
	[tilespmem:s21+$0x74C0] =	vst v5  }
0x8e: {  	v5 =	vld.idx.msk [tilespmem:v8+s3+$0x0], $0xffff  }
0x8f: {  	v8 =	vld [tilespmem:s22+$0x510]  }
0x90: {  	v13 =	vld [tilespmem:s23+$0x100]  }
0x91: {  	[tilespmem:s22+$0x7170] =	vst v4;
	v4 =	vld [tilespmem:s23+$0x80]  }
0x92: {  	v2 =	vld.idx.msk [tilespmem:v2+s3+$0x0], $0xffff  }
0x93: {  	v19 =	vld [tilespmem:s23+$0xB0]  }
0x94: {  	v11 =	vld [tilespmem:s21+$0x570]  }
0x95: {  	v12 =	vld [tilespmem:s22+$0x4A0]  }
0x96: {  	v17 =	vld [tilespmem:s22+$0x4B0]  }
0x97: {  	v18 =	vld [tilespmem:s23+$0xA0];
	[tilespmem:s22+$0x7500] =	vst v2  }
0x98: {  	v2 =	vld.idx.msk [tilespmem:v8+s3+$0x0], $0xffff  }
0x99: {  	v8 =	vld.idx.msk [tilespmem:v13+s3+$0x0], $0xffff  }
0x9a: {  	v4 =	vld.idx.msk [tilespmem:v4+s3+$0x0], $0xffff  }
0x9b: {  	v10 =	vld.idx.msk [tilespmem:v16+s3+$0x0], $0xffff  }
0x9c: {  	v16 =	vld [tilespmem:s23+$0x90]  }
0x9d: {  	v7 =	vld [tilespmem:s22+$0x4C0]  }
0x9e: {  	v9 =	vld.idx.msk [tilespmem:v11+s3+$0x0], $0xffff;
	[tilespmem:s23+$0x7100] =	vst v8  }
0x9f: {  	[tilespmem:s23+$0x7080] =	vst v4;
	v4 =	vld.idx.msk [tilespmem:v45+s3+$0x0], $0xffff  }
0xa0: {  	v11 =	vld [tilespmem:s22+$0x4E0];
	[tilespmem:s22+$0x70F0] =	vst v10  }
0xa1: {  	v14 =	vld.idx.msk [tilespmem:v14+s3+$0x0], $0xffff;
	[tilespmem:s22+$0x7510] =	vst v2  }
0xa2: {  	v2 =	vld.idx.msk [tilespmem:v44+s3+$0x0], $0xffff  }
0xa3: {  	v6 =	vld [tilespmem:s22+$0x4D0]  }
0xa4: {  	v8 =	vld.idx.msk [tilespmem:v16+s3+$0x0], $0xffff;
	[tilespmem:s23+$0x7110] =	vst v4  }
0xa5: {  	[tilespmem:s21+$0x7570] =	vst v9;
	v4 =	vld.idx.msk [tilespmem:v24+s3+$0x0], $0xffff  }
0xa6: {  	v9 =	vld [tilespmem:s24+$0x4E0];
	[tilespmem:s22+$0x7480] =	vst v14  }
0xa7: {  	v14 =	vld.idx.msk [tilespmem:v15+s3+$0x0], $0xffff;
	[tilespmem:s22+$0x7520] =	vst v2  }
0xa8: {  	v2 =	vld.idx.msk [tilespmem:v23+s3+$0x0], $0xffff  }
0xa9: {  	v1 =	vld [tilespmem:s22+$0x4F0];
	[tilespmem:s23+$0x7090] =	vst v8  }
0xaa: {  	v8 =	vld.idx.msk [tilespmem:v18+s3+$0x0], $0xffff;
	[tilespmem:s23+$0x7120] =	vst v4  }
0xab: {  	v4 =	vld.idx.msk [tilespmem:v25+s3+$0x0], $0xffff  }
0xac: {  	[tilespmem:s22+$0x7490] =	vst v14;
	v18 =	vld [tilespmem:s22+$0x550]  }
0xad: {  	v12 =	vld.idx.msk [tilespmem:v12+s3+$0x0], $0xffff;
	[tilespmem:s22+$0x7530] =	vst v2  }
0xae: {  	v2 =	vld.idx.msk [tilespmem:v47+s3+$0x0], $0xffff  }
0xaf: {  	v10 =	vld [tilespmem:s23+$0x480]  }
0xb0: {  	v13 =	vld [tilespmem:s23+$0xC0];
	[tilespmem:s23+$0x7130] =	vst v4  }
0xb1: {  	v4 =	vld.idx.msk [tilespmem:v48+s3+$0x0], $0xffff  }
0xb2: {  	v15 =	vld [tilespmem:s22+$0x560];
	[tilespmem:s22+$0x74A0] =	vst v12  }
0xb3: {  	v12 =	vld.idx.msk [tilespmem:v17+s3+$0x0], $0xffff;
	[tilespmem:s22+$0x7540] =	vst v2  }
0xb4: {  	v2 =	vld.idx.msk [tilespmem:v18+s3+$0x0], $0xffff  }
0xb5: {  	v18 =	vld [tilespmem:s23+$0x160]  }
0xb6: {  	v14 =	vld [tilespmem:s22+$0x570];
	[tilespmem:s23+$0x7140] =	vst v4  }
0xb7: {  	[tilespmem:s23+$0x70A0] =	vst v8;
	v4 =	vld.idx.msk [tilespmem:v49+s3+$0x0], $0xffff  }
0xb8: {  	[tilespmem:s22+$0x74B0] =	vst v12;
	v8 =	vld.idx.msk [tilespmem:v19+s3+$0x0], $0xffff  }
0xb9: {  	v7 =	vld.idx.msk [tilespmem:v7+s3+$0x0], $0xffff  }
0xba: {  	v16 =	vld [tilespmem:s23+$0xE0]  }
0xbb: {  	v17 =	vld [tilespmem:s23+$0x170]  }
0xbc: {  	v19 =	vld [tilespmem:s23+$0x490];
	[tilespmem:s23+$0x7150] =	vst v4  }
0xbd: {  	[tilespmem:s23+$0x70B0] =	vst v8;
	v4 =	vld.idx.msk [tilespmem:v18+s3+$0x0], $0xffff  }
0xbe: {  	[tilespmem:s22+$0x74C0] =	vst v7;
	v7 =	vld [tilespmem:s24+$0x100]  }
0xbf: {  	v8 =	vld.idx.msk [tilespmem:v13+s3+$0x0], $0xffff  }
0xc0: {  	v13 =	vld [tilespmem:s23+$0x4A0]  }
0xc1: {  	v12 =	vld.idx.msk [tilespmem:v6+s3+$0x0], $0xffff  }
0xc2: {  	[tilespmem:s23+$0x7160] =	vst v4;
	v4 =	vld [tilespmem:s23+$0x500]  }
0xc3: {  	[tilespmem:s21+$0x74D0] =	vst v5;
	v6 =	vld [tilespmem:s23+$0x510]  }
0xc4: {  	[tilespmem:s22+$0x7550] =	vst v2;
	v5 =	vld.idx.msk [tilespmem:v17+s3+$0x0], $0xffff  }
0xc5: {  	v2 =	vld.idx.msk [tilespmem:v15+s3+$0x0], $0xffff  }
0xc6: {  	[tilespmem:s23+$0x70C0] =	vst v8;
	v15 =	vld [tilespmem:s23+$0x4B0]  }
0xc7: {  	[tilespmem:s22+$0x74D0] =	vst v12;
	v8 =	vld.idx.msk [tilespmem:v22+s3+$0x0], $0xffff  }
0xc8: {  	v12 =	vld.idx.msk [tilespmem:v11+s3+$0x0], $0xffff  }
0xc9: {  	[tilespmem:s23+$0x7170] =	vst v5;
	v5 =	vld [tilespmem:s24+$0x80]  }
0xca: {  	v4 =	vld.idx.msk [tilespmem:v4+s3+$0x0], $0xffff  }
0xcb: {  	v11 =	vld [tilespmem:s24+$0x4F0];
	[tilespmem:s22+$0x7560] =	vst v2  }
0xcc: {  	v2 =	vld [tilespmem:s23+$0x4E0];
	[tilespmem:s23+$0x70D0] =	vst v8  }
0xcd: {  	v8 =	vld.idx.msk [tilespmem:v16+s3+$0x0], $0xffff  }
0xce: {  	v14 =	vld.idx.msk [tilespmem:v14+s3+$0x0], $0xffff  }
0xcf: {  	v17 =	vld [tilespmem:s24+$0x90];
	[tilespmem:s23+$0x7500] =	vst v4  }
0xd0: {  	v4 =	vld.idx.msk [tilespmem:v6+s3+$0x0], $0xffff  }
0xd1: {  	v6 =	vld.idx.msk [tilespmem:v7+s3+$0x0], $0xffff  }
0xd2: {  	[tilespmem:s23+$0x70E0] =	vst v8;
	v5 =	vld.idx.msk [tilespmem:v5+s3+$0x0], $0xffff  }
0xd3: {  	v8 =	vld.idx.msk [tilespmem:v46+s3+$0x0], $0xffff  }
0xd4: {  	v18 =	vld [tilespmem:s23+$0x4D0]  }
0xd5: {  	v16 =	vld.idx.msk [tilespmem:v3+s3+$0x0], $0xffff;
	[tilespmem:s23+$0x7510] =	vst v4  }
0xd6: {  	[tilespmem:s24+$0x7100] =	vst v6;
	v4 =	vld.idx.msk [tilespmem:v53+s3+$0x0], $0xffff  }
0xd7: {  	[tilespmem:s24+$0x7080] =	vst v5;
	v5 =	vld.idx.msk [tilespmem:v54+s3+$0x0], $0xffff  }
0xd8: {  	[tilespmem:s23+$0x70F0] =	vst v8;
	v6 =	vld.idx.msk [tilespmem:v17+s3+$0x0], $0xffff  }
0xd9: {  	v8 =	vld.idx.msk [tilespmem:v10+s3+$0x0], $0xffff  }
0xda: {  	v3 =	vld [tilespmem:s23+$0x4F0];
	[tilespmem:s22+$0x7570] =	vst v14  }
0xdb: {  	v14 =	vld [tilespmem:s24+$0x500];
	[tilespmem:s23+$0x7520] =	vst v4  }
0xdc: {  	[tilespmem:s24+$0x7110] =	vst v5;
	v5 =	vld.idx.msk [tilespmem:v26+s3+$0x0], $0xffff  }
0xdd: {  	[tilespmem:s24+$0x7090] =	vst v6;
	v6 =	vld.idx.msk [tilespmem:v27+s3+$0x0], $0xffff  }
0xde: {  	[tilespmem:s23+$0x7480] =	vst v8;
	v20 =	vld.idx.msk [tilespmem:v51+s3+$0x0], $0xffff  }
0xdf: {  	v19 =	vld.idx.msk [tilespmem:v19+s3+$0x0], $0xffff  }
0xe0: {  	v10 =	vld [tilespmem:s23+$0x550]  }
0xe1: {  	[tilespmem:s23+$0x7530] =	vst v5;
	v5 =	vld [tilespmem:s24+$0x140]  }
0xe2: {  	v7 =	vld [tilespmem:s24+$0xC0];
	[tilespmem:s24+$0x7120] =	vst v6  }
0xe3: {  	[tilespmem:s24+$0x70A0] =	vst v20;
	v58 =	vld.idx.msk [tilespmem:v28+s3+$0x0], $0xffff  }
0xe4: {  	[tilespmem:s23+$0x7490] =	vst v19;
	v22 =	vld.idx.msk [tilespmem:v52+s3+$0x0], $0xffff  }
0xe5: {  	v13 =	vld.idx.msk [tilespmem:v13+s3+$0x0], $0xffff  }
0xe6: {  	v24 =	vld.idx.msk [tilespmem:v57+s3+$0x0], $0xffff  }
0xe7: {  	v8 =	vld [tilespmem:s24+$0x4A0]  }
0xe8: {  	v19 =	vld [tilespmem:s23+$0x570];
	[tilespmem:s24+$0x7130] =	vst v58  }
0xe9: {  	[tilespmem:s24+$0x70B0] =	vst v22;
	v5 =	vld.idx.msk [tilespmem:v5+s3+$0x0], $0xffff  }
0xea: {  	[tilespmem:s23+$0x74A0] =	vst v13;
	v7 =	vld.idx.msk [tilespmem:v7+s3+$0x0], $0xffff  }
0xeb: {  	v13 =	vld.idx.msk [tilespmem:v15+s3+$0x0], $0xffff;
	[tilespmem:s23+$0x7540] =	vst v24  }
0xec: {  	v10 =	vld.idx.msk [tilespmem:v10+s3+$0x0], $0xffff  }
0xed: {  	v17 =	vld [tilespmem:s24+$0xE0]  }
0xee: {  	v4 =	vld [tilespmem:s24+$0x480];
	[tilespmem:s24+$0x7140] =	vst v5  }
0xef: {  	[tilespmem:s24+$0x70C0] =	vst v7;
	v7 =	vld.idx.msk [tilespmem:v60+s3+$0x0], $0xffff  }
0xf0: {  	[tilespmem:s23+$0x74B0] =	vst v13;
	v63 =	vld.idx.msk [tilespmem:v55+s3+$0x0], $0xffff  }
0xf1: {  	v13 =	vld.idx.msk [tilespmem:v50+s3+$0x0], $0xffff;
	[tilespmem:s23+$0x7550] =	vst v10  }
0xf2: {  	v62 =	vld.idx.msk [tilespmem:v59+s3+$0x0], $0xffff  }
0xf3: {  	v15 =	vld [tilespmem:s24+$0x170]  }
0xf4: {  	v6 =	vld [tilespmem:s24+$0x490];
	[tilespmem:s24+$0x7150] =	vst v7  }
0xf5: {  	[tilespmem:s24+$0x70D0] =	vst v63;
	v20 =	vld.idx.msk [tilespmem:v61+s3+$0x0], $0xffff  }
0xf6: {  	[tilespmem:s23+$0x74C0] =	vst v13;
	v17 =	vld.idx.msk [tilespmem:v17+s3+$0x0], $0xffff  }
0xf7: {  	v13 =	vld.idx.msk [tilespmem:v18+s3+$0x0], $0xffff;
	[tilespmem:s23+$0x7560] =	vst v62  }
0xf8: {  	v19 =	vld.idx.msk [tilespmem:v19+s3+$0x0], $0xffff  }
0xf9: {  	v10 =	vld [tilespmem:s24+$0x4B0]  }
0xfa: {  	v5 =	vld [tilespmem:s24+$0x4C0];
	[tilespmem:s24+$0x7160] =	vst v20  }
0xfb: {  	[tilespmem:s24+$0x70E0] =	vst v17;
	v15 =	vld.idx.msk [tilespmem:v15+s3+$0x0], $0xffff  }
0xfc: {  	[tilespmem:s21+$0x74E0] =	vst v16;
	v16 =	vld.idx.msk [tilespmem:v56+s3+$0x0], $0xffff  }
0xfd: {  	s26 =	simm.s32 $0x400;
	s28 =	simm.s32 $0x800;
	s25 =	simm.s32 $0x6;
	v7 =	vld [tilespmem:s24+$0x4D0];
	[tilespmem:s23+$0x7570] =	vst v19  }
.LBB2_2:
0xfe: {  	s29 =	sand.u32 $0x3800, s28;
	s30 =	sand.u32 $0x300, s26;
	[tilespmem:s22+$0x74E0] =	vst v12;
	v12 =	vld.idx.msk [tilespmem:v0+s3+$0x0], $0xffff;
	v0 =	vmov v1;
	v1 =	vmov v3  }
0xff: {  	s25 =	sadd.s32 $0x2, s25;
	s29 =	sor.u32 s30, s29;
	v17 =	vld [tilespmem:s24+$0x510]  }
0x100: {  	p0 =	slt.u32 s25, $0x30;
	v18 =	vld [tilespmem:s29+$0x100];
	[tilespmem:s24+$0x7170] =	vst v15  }
0x101: {  	[tilespmem:s24+$0x70F0] =	vst v16;
	v14 =	vld.idx.msk [tilespmem:v14+s3+$0x0], $0xffff;
	v3 =	vmov v11  }
0x102: {  	v11 =	vld [tilespmem:s29+$0x80]  }
0x103: {  	v15 =	vld [tilespmem:s29+$0x90];
	[tilespmem:s23+$0x74D0] =	vst v13  }
0x104: {  	v13 =	vld [tilespmem:s29+$0xA0];
	[tilespmem:s21+$0x74F0] =	vst v12;
	s21 =	smov.u32 s22;
	s22 =	smov.u32 s23;
	s23 =	smov.u32 s24  }
0x105: {  	s24 =	smov.u32 s29;
	v12 =	vld [tilespmem:s29+$0xB0]  }
0x106: {  	v16 =	vld [tilespmem:s23+$0x520]  }
0x107: {  	v19 =	vld [tilespmem:s24+$0x110];
	[tilespmem:s23+$0x7500] =	vst v14  }
0x108: {  	v14 =	vld.idx.msk [tilespmem:v17+s3+$0x0], $0xffff  }
0x109: {  	v17 =	vld.idx.msk [tilespmem:v18+s3+$0x0], $0xffff  }
0x10a: {  	v11 =	vld.idx.msk [tilespmem:v11+s3+$0x0], $0xffff  }
0x10b: {  	v18 =	vld [tilespmem:s24+$0xC0]  }
0x10c: {  	v20 =	vld [tilespmem:s24+$0xD0]  }
0x10d: {  	v21 =	vld [tilespmem:s23+$0x530]  }
0x10e: {  	v22 =	vld [tilespmem:s24+$0x120];
	[tilespmem:s23+$0x7510] =	vst v14  }
0x10f: {  	[tilespmem:s24+$0x7100] =	vst v17;
	v14 =	vld.idx.msk [tilespmem:v16+s3+$0x0], $0xffff  }
0x110: {  	[tilespmem:s24+$0x7080] =	vst v11;
	v11 =	vld.idx.msk [tilespmem:v19+s3+$0x0], $0xffff  }
0x111: {  	v15 =	vld.idx.msk [tilespmem:v15+s3+$0x0], $0xffff  }
0x112: {  	v16 =	vld [tilespmem:s24+$0xE0]  }
0x113: {  	v17 =	vld [tilespmem:s24+$0xF0]  }
0x114: {  	v19 =	vld [tilespmem:s23+$0x540]  }
0x115: {  	v23 =	vld [tilespmem:s24+$0x130];
	[tilespmem:s23+$0x7520] =	vst v14  }
0x116: {  	[tilespmem:s24+$0x7110] =	vst v11;
	v11 =	vld.idx.msk [tilespmem:v21+s3+$0x0], $0xffff  }
0x117: {  	[tilespmem:s24+$0x7090] =	vst v15;
	v14 =	vld.idx.msk [tilespmem:v22+s3+$0x0], $0xffff  }
0x118: {  	v13 =	vld.idx.msk [tilespmem:v13+s3+$0x0], $0xffff  }
0x119: {  	v15 =	vld [tilespmem:s24+$0x480]  }
0x11a: {  	v21 =	vld.idx.msk [tilespmem:v4+s3+$0x0], $0xffff  }
0x11b: {  	v22 =	vld [tilespmem:s23+$0x550]  }
0x11c: {  	v24 =	vld [tilespmem:s24+$0x140];
	[tilespmem:s23+$0x7530] =	vst v11  }
0x11d: {  	[tilespmem:s24+$0x7120] =	vst v14;
	v11 =	vld.idx.msk [tilespmem:v19+s3+$0x0], $0xffff  }
0x11e: {  	[tilespmem:s24+$0x70A0] =	vst v13;
	v13 =	vld.idx.msk [tilespmem:v23+s3+$0x0], $0xffff;
	v4 =	vmov v15  }
0x11f: {  	v12 =	vld.idx.msk [tilespmem:v12+s3+$0x0], $0xffff  }
0x120: {  	v14 =	vld [tilespmem:s24+$0x490];
	[tilespmem:s23+$0x7480] =	vst v21  }
0x121: {  	v15 =	vld.idx.msk [tilespmem:v6+s3+$0x0], $0xffff  }
0x122: {  	v19 =	vld [tilespmem:s23+$0x560]  }
0x123: {  	v21 =	vld [tilespmem:s24+$0x150];
	[tilespmem:s23+$0x7540] =	vst v11  }
0x124: {  	[tilespmem:s24+$0x7130] =	vst v13;
	v11 =	vld.idx.msk [tilespmem:v22+s3+$0x0], $0xffff  }
0x125: {  	[tilespmem:s24+$0x70B0] =	vst v12;
	v12 =	vld.idx.msk [tilespmem:v24+s3+$0x0], $0xffff;
	v6 =	vmov v14  }
0x126: {  	v13 =	vld.idx.msk [tilespmem:v18+s3+$0x0], $0xffff  }
0x127: {  	v14 =	vld [tilespmem:s24+$0x4A0];
	[tilespmem:s23+$0x7490] =	vst v15  }
0x128: {  	v15 =	vld.idx.msk [tilespmem:v8+s3+$0x0], $0xffff  }
0x129: {  	v18 =	vld [tilespmem:s23+$0x570]  }
0x12a: {  	v22 =	vld [tilespmem:s24+$0x160];
	[tilespmem:s23+$0x7550] =	vst v11  }
0x12b: {  	[tilespmem:s24+$0x7140] =	vst v12;
	v11 =	vld.idx.msk [tilespmem:v19+s3+$0x0], $0xffff  }
0x12c: {  	[tilespmem:s24+$0x70C0] =	vst v13;
	v12 =	vld.idx.msk [tilespmem:v21+s3+$0x0], $0xffff;
	v8 =	vmov v14  }
0x12d: {  	v13 =	vld.idx.msk [tilespmem:v20+s3+$0x0], $0xffff  }
0x12e: {  	v14 =	vld [tilespmem:s24+$0x4B0];
	[tilespmem:s23+$0x74A0] =	vst v15  }
0x12f: {  	v15 =	vld.idx.msk [tilespmem:v10+s3+$0x0], $0xffff  }
0x130: {  	v19 =	vld [tilespmem:s24+$0x4C0]  }
0x131: {  	v20 =	vld [tilespmem:s24+$0x170];
	[tilespmem:s23+$0x7560] =	vst v11  }
0x132: {  	[tilespmem:s24+$0x7150] =	vst v12;
	v11 =	vld.idx.msk [tilespmem:v18+s3+$0x0], $0xffff  }
0x133: {  	[tilespmem:s24+$0x70D0] =	vst v13;
	v13 =	vld.idx.msk [tilespmem:v22+s3+$0x0], $0xffff;
	v10 =	vmov v14  }
0x134: {  	v16 =	vld.idx.msk [tilespmem:v16+s3+$0x0], $0xffff  }
0x135: {  	v18 =	vld [tilespmem:s24+$0x4D0];
	[tilespmem:s23+$0x74B0] =	vst v15  }
0x136: {  	v21 =	vld.idx.msk [tilespmem:v5+s3+$0x0], $0xffff;
	v5 =	vmov v19  }
0x137: {  	v19 =	vld [tilespmem:s24+$0x4E0]  }
0x138: {  	[tilespmem:s23+$0x7570] =	vst v11;
	v12 =	vld.idx.msk [tilespmem:v2+s3+$0x0], $0xffff;
	v2 =	vmov v9  }
.Ltmp0:
0x139: {  	[tilespmem:s24+$0x7160] =	vst v13;
	v14 =	vld [tilespmem:s24+$0x500];
	(pc) =	sbr.rel @p0 .LBB2_2-.Ltmp0, $4  }
0x13a: {  	[tilespmem:s24+$0x70E0] =	vst v16;
	v15 =	vld.idx.msk [tilespmem:v20+s3+$0x0], $0xffff  }
0x13b: {  	v16 =	vld.idx.msk [tilespmem:v17+s3+$0x0], $0xffff  }
0x13c: {  	v11 =	vld [tilespmem:s24+$0x4F0];
	[tilespmem:s23+$0x74C0] =	vst v21;
	v9 =	vmov v19  }
0x13d: {  	s26 =	sadd.s32 $0x100, s26;
	s28 =	sadd.s32 $0x200, s28;
	v13 =	vld.idx.msk [tilespmem:v7+s3+$0x0], $0xffff;
	v7 =	vmov v18  }
0x13e: {  	_ =	sdelay $0x1  }
0x13f: {  	v17 =	vld [tilespmem:s24+$0x510]  }
0x140: {  	[tilespmem:s24+$0x7170] =	vst v15  }
0x141: {  	v14 =	vld.idx.msk [tilespmem:v14+s3+$0x0], $0xffff;
	[tilespmem:s24+$0x70F0] =	vst v16  }
0x142: {  	v4 =	vld.idx.msk [tilespmem:v4+s3+$0x0], $0xffff;
	_ =	sdelay $0x2  }
0x143: {  	v15 =	vld [tilespmem:s24+$0x520]  }
0x144: {  	[tilespmem:s24+$0x7500] =	vst v14  }
0x145: {  	v14 =	vld.idx.msk [tilespmem:v17+s3+$0x0], $0xffff;
	[tilespmem:s24+$0x7480] =	vst v4  }
0x146: {  	v4 =	vld.idx.msk [tilespmem:v6+s3+$0x0], $0xffff;
	_ =	sdelay $0x2  }
0x147: {  	v6 =	vld [tilespmem:s24+$0x530]  }
0x148: {  	[tilespmem:s24+$0x7510] =	vst v14  }
0x149: {  	v14 =	vld.idx.msk [tilespmem:v15+s3+$0x0], $0xffff;
	[tilespmem:s24+$0x7490] =	vst v4  }
0x14a: {  	v4 =	vld.idx.msk [tilespmem:v8+s3+$0x0], $0xffff;
	_ =	sdelay $0x2  }
0x14b: {  	v8 =	vld [tilespmem:s24+$0x540]  }
0x14c: {  	[tilespmem:s24+$0x7520] =	vst v14  }
0x14d: {  	v6 =	vld.idx.msk [tilespmem:v6+s3+$0x0], $0xffff;
	[tilespmem:s24+$0x74A0] =	vst v4  }
0x14e: {  	v4 =	vld.idx.msk [tilespmem:v10+s3+$0x0], $0xffff;
	_ =	sdelay $0x2  }
0x14f: {  	v10 =	vld [tilespmem:s24+$0x550]  }
0x150: {  	[tilespmem:s24+$0x7530] =	vst v6  }
0x151: {  	v6 =	vld.idx.msk [tilespmem:v8+s3+$0x0], $0xffff;
	[tilespmem:s24+$0x74B0] =	vst v4  }
0x152: {  	v4 =	vld.idx.msk [tilespmem:v5+s3+$0x0], $0xffff;
	_ =	sdelay $0x2  }
0x153: {  	v5 =	vld [tilespmem:s24+$0x560]  }
0x154: {  	[tilespmem:s24+$0x7540] =	vst v6  }
0x155: {  	v6 =	vld.idx.msk [tilespmem:v10+s3+$0x0], $0xffff;
	[tilespmem:s24+$0x74C0] =	vst v4  }
0x156: {  	v4 =	vld.idx.msk [tilespmem:v7+s3+$0x0], $0xffff;
	_ =	sdelay $0x2  }
0x157: {  	[tilespmem:s23+$0x74D0] =	vst v13;
	v7 =	vld [tilespmem:s24+$0x570]  }
0x158: {  	v2 =	vld.idx.msk [tilespmem:v2+s3+$0x0], $0xffff;
	[tilespmem:s24+$0x7550] =	vst v6  }
0x159: {  	v5 =	vld.idx.msk [tilespmem:v5+s3+$0x0], $0xffff;
	[tilespmem:s24+$0x74D0] =	vst v4  }
0x15a: {  	v4 =	vld.idx.msk [tilespmem:v9+s3+$0x0], $0xffff;
	_ =	sdelay $0x1  }
0x15b: {  	v0 =	vld.idx.msk [tilespmem:v0+s3+$0x0], $0xffff;
	[tilespmem:s22+$0x74E0] =	vst v12  }
0x15c: {  	v1 =	vld.idx.msk [tilespmem:v1+s3+$0x0], $0xffff;
	[tilespmem:s23+$0x74E0] =	vst v2  }
0x15d: {  	v2 =	vld.idx.msk [tilespmem:v3+s3+$0x0], $0xffff;
	[tilespmem:s24+$0x7560] =	vst v5  }
0x15e: {  	v5 =	vld.idx.msk [tilespmem:v7+s3+$0x0], $0xffff;
	[tilespmem:s24+$0x74E0] =	vst v4  }
0x15f: {  	v3 =	vld.idx.msk [tilespmem:v11+s3+$0x0], $0xffff  }
0x160: {  	[tilespmem:s21+$0x74F0] =	vst v0  }
0x161: {  	[tilespmem:s22+$0x74F0] =	vst v1  }
0x162: {  	[tilespmem:s23+$0x74F0] =	vst v2  }
0x163: {  	[tilespmem:s24+$0x7570] =	vst v5  }
0x164: {  	[tilespmem:s24+$0x74F0] =	vst v3  }
0x165: {  	[hbm4b:s6+s9] =	stream.strided.scatter [tilespmem:s15], [sflag:$0x3], $0x3800, s10, s9, $0x38;
	[tilespmem:$0xE080] =	vst v63  }
0x166: {  	s23 =	simm.s32 $0x0;
	_ =	swait.ge [sflag:s16], $0x3800  }
0x167: {  	s21 =	sand.u32 $0x300, s23;
	s24 =	sand.u32 $0x3800, s23;
	[sflag:s16] =	ssyncset.done $0x0  }
0x168: {  	s21 =	sor.u32 s21, s24;
	[sflag:s16] =	ssyncadd.s32 $0xFFFFC800  }
0x169: {  	v0 =	vld [tilespmem:s21+$0x3900]  }
0x16a: {  	v1 =	vld [tilespmem:s21+$0x3880]  }
0x16b: {  	v2 =	vld [tilespmem:s21+$0x3910]  }
0x16c: {  	v3 =	vld [tilespmem:s21+$0x3890]  }
0x16d: {  	v4 =	vld [tilespmem:s21+$0x38A0]  }
0x16e: {  	v5 =	vld [tilespmem:s21+$0x38B0]  }
0x16f: {  	v6 =	vld [tilespmem:s21+$0x3920]  }
0x170: {  	v7 =	vld [tilespmem:s21+$0x38C0]  }
0x171: {  	v8 =	vld [tilespmem:s21+$0x38E0]  }
0x172: {  	s25 =	simm.s32 $0x100;
	s26 =	simm.s32 $0x200;
	v9 =	vld [tilespmem:s21+$0x3C80]  }
0x173: {  	s22 =	sand.u32 $0x300, s25;
	s23 =	sand.u32 $0x3800, s26;
	v10 =	vld [tilespmem:s21+$0x3CC0]  }
0x174: {  	s22 =	sor.u32 s22, s23;
	v11 =	vld [tilespmem:s21+$0x3D00]  }
0x175: {  	v12 =	vld [tilespmem:s22+$0x3900]  }
0x176: {  	v13 =	vld [tilespmem:s22+$0x3890]  }
0x177: {  	v14 =	vld [tilespmem:s22+$0x38A0]  }
0x178: {  	v15 =	vld [tilespmem:s22+$0x38B0]  }
0x179: {  	v16 =	vld [tilespmem:s21+$0x3D20]  }
0x17a: {  	v0 =	vld.idx.msk [tilespmem:v0+s3+$0x0], $0xffff  }
0x17b: {  	v17 =	vld [tilespmem:s22+$0x3910]  }
0x17c: {  	v18 =	vld [tilespmem:s22+$0x38D0]  }
0x17d: {  	v1 =	vld.idx.msk [tilespmem:v1+s3+$0x0], $0xffff  }
0x17e: {  	v19 =	vld [tilespmem:s21+$0x3D30]  }
0x17f: {  	v20 =	vld [tilespmem:s22+$0x3920];
	[tilespmem:s21+$0xA900] =	vst v0  }
0x180: {  	v0 =	vld.idx.msk [tilespmem:v2+s3+$0x0], $0xffff  }
0x181: {  	v21 =	vld [tilespmem:s22+$0x3930]  }
0x182: {  	s29 =	simm.s32 $0x200;
	s30 =	simm.s32 $0x400;
	v44 =	vld [tilespmem:s22+$0x3D20];
	[tilespmem:s21+$0xA880] =	vst v1  }
0x183: {  	s24 =	sand.u32 $0x3800, s30;
	s23 =	sand.u32 $0x300, s29;
	v1 =	vld.idx.msk [tilespmem:v3+s3+$0x0], $0xffff  }
0x184: {  	s23 =	sor.u32 s23, s24;
	v3 =	vld [tilespmem:s21+$0x3930]  }
0x185: {  	v45 =	vld [tilespmem:s23+$0x3910];
	[tilespmem:s21+$0xA910] =	vst v0  }
0x186: {  	v0 =	vld.idx.msk [tilespmem:v6+s3+$0x0], $0xffff  }
0x187: {  	v22 =	vld [tilespmem:s23+$0x38D0]  }
0x188: {  	v23 =	vld [tilespmem:s22+$0x3D30];
	[tilespmem:s21+$0xA890] =	vst v1  }
0x189: {  	v1 =	vld.idx.msk [tilespmem:v4+s3+$0x0], $0xffff  }
0x18a: {  	v4 =	vld [tilespmem:s21+$0x3940]  }
0x18b: {  	v24 =	vld [tilespmem:s23+$0x3920];
	[tilespmem:s21+$0xA920] =	vst v0  }
0x18c: {  	v0 =	vld.idx.msk [tilespmem:v3+s3+$0x0], $0xffff  }
0x18d: {  	v46 =	vld [tilespmem:s23+$0x38F0]  }
0x18e: {  	v47 =	vld [tilespmem:s22+$0x3D40];
	[tilespmem:s21+$0xA8A0] =	vst v1  }
0x18f: {  	v1 =	vld.idx.msk [tilespmem:v5+s3+$0x0], $0xffff  }
0x190: {  	v3 =	vld [tilespmem:s21+$0x3950]  }
0x191: {  	v25 =	vld [tilespmem:s23+$0x3930];
	[tilespmem:s21+$0xA930] =	vst v0  }
0x192: {  	v0 =	vld.idx.msk [tilespmem:v4+s3+$0x0], $0xffff  }
0x193: {  	v2 =	vld [tilespmem:s21+$0x38D0]  }
0x194: {  	v48 =	vld [tilespmem:s23+$0x3940];
	[tilespmem:s21+$0xA8B0] =	vst v1  }
0x195: {  	v1 =	vld.idx.msk [tilespmem:v7+s3+$0x0], $0xffff  }
0x196: {  	v5 =	vld [tilespmem:s21+$0x3960]  }
0x197: {  	s31 =	simm.s32 $0x300;
	s25 =	simm.s32 $0x600;
	v49 =	vld [tilespmem:s23+$0x3950];
	[tilespmem:s21+$0xA940] =	vst v0  }
0x198: {  	s25 =	sand.u32 $0x3800, s25;
	s24 =	sand.u32 $0x300, s31;
	v0 =	vld.idx.msk [tilespmem:v3+s3+$0x0], $0xffff  }
0x199: {  	s24 =	sor.u32 s24, s25;
	v50 =	vld [tilespmem:s23+$0x3CC0]  }
0x19a: {  	v51 =	vld [tilespmem:s24+$0x38A0];
	[tilespmem:s21+$0xA8C0] =	vst v1  }
0x19b: {  	v1 =	vld.idx.msk [tilespmem:v2+s3+$0x0], $0xffff  }
0x19c: {  	v2 =	vld [tilespmem:s21+$0x3970]  }
0x19d: {  	v52 =	vld [tilespmem:s24+$0x38B0];
	[tilespmem:s21+$0xA950] =	vst v0  }
0x19e: {  	v0 =	vld.idx.msk [tilespmem:v5+s3+$0x0], $0xffff  }
0x19f: {  	v6 =	vld [tilespmem:s21+$0x38F0]  }
0x1a0: {  	v53 =	vld [tilespmem:s23+$0x3D20];
	[tilespmem:s21+$0xA8D0] =	vst v1  }
0x1a1: {  	v1 =	vld.idx.msk [tilespmem:v8+s3+$0x0], $0xffff  }
0x1a2: {  	v54 =	vld [tilespmem:s24+$0x3910]  }
0x1a3: {  	v55 =	vld [tilespmem:s24+$0x38D0];
	[tilespmem:s21+$0xA960] =	vst v0  }
0x1a4: {  	v2 =	vld.idx.msk [tilespmem:v2+s3+$0x0], $0xffff  }
0x1a5: {  	v26 =	vld [tilespmem:s23+$0x3D30]  }
0x1a6: {  	v27 =	vld [tilespmem:s24+$0x3920];
	[tilespmem:s21+$0xA8E0] =	vst v1  }
0x1a7: {  	v1 =	vld.idx.msk [tilespmem:v6+s3+$0x0], $0xffff  }
0x1a8: {  	v6 =	vld [tilespmem:s21+$0x3D10]  }
0x1a9: {  	v56 =	vld [tilespmem:s24+$0x38F0];
	[tilespmem:s21+$0xA970] =	vst v2  }
0x1aa: {  	v2 =	vld.idx.msk [tilespmem:v11+s3+$0x0], $0xffff  }
0x1ab: {  	v11 =	vld [tilespmem:s22+$0x3880]  }
0x1ac: {  	v57 =	vld [tilespmem:s23+$0x3D40]  }
0x1ad: {  	v28 =	vld [tilespmem:s24+$0x3930]  }
0x1ae: {  	v59 =	vld [tilespmem:s23+$0x3D60]  }
0x1af: {  	v60 =	vld [tilespmem:s24+$0x3950];
	[tilespmem:s21+$0xAD00] =	vst v2  }
0x1b0: {  	v2 =	vld.idx.msk [tilespmem:v6+s3+$0x0], $0xffff  }
0x1b1: {  	v6 =	vld.idx.msk [tilespmem:v12+s3+$0x0], $0xffff  }
0x1b2: {  	v61 =	vld [tilespmem:s24+$0x3960]  }
0x1b3: {  	v11 =	vld.idx.msk [tilespmem:v11+s3+$0x0], $0xffff  }
0x1b4: {  	v4 =	vld [tilespmem:s21+$0x3C90]  }
0x1b5: {  	v7 =	vld [tilespmem:s21+$0x3CA0]  }
0x1b6: {  	v5 =	vld [tilespmem:s21+$0x3CB0];
	[tilespmem:s22+$0xA900] =	vst v6  }
0x1b7: {  	[tilespmem:s21+$0xAD10] =	vst v2;
	v6 =	vld.idx.msk [tilespmem:v17+s3+$0x0], $0xffff  }
0x1b8: {  	v2 =	vld.idx.msk [tilespmem:v16+s3+$0x0], $0xffff;
	[tilespmem:s22+$0xA880] =	vst v11  }
0x1b9: {  	[tilespmem:s21+$0xA8F0] =	vst v1;
	v11 =	vld.idx.msk [tilespmem:v13+s3+$0x0], $0xffff  }
0x1ba: {  	v1 =	vld.idx.msk [tilespmem:v9+s3+$0x0], $0xffff  }
0x1bb: {  	v9 =	vld [tilespmem:s21+$0x3D50]  }
0x1bc: {  	v17 =	vld [tilespmem:s21+$0x3D40];
	[tilespmem:s22+$0xA910] =	vst v6  }
0x1bd: {  	[tilespmem:s21+$0xAD20] =	vst v2;
	v6 =	vld.idx.msk [tilespmem:v20+s3+$0x0], $0xffff  }
0x1be: {  	v2 =	vld.idx.msk [tilespmem:v19+s3+$0x0], $0xffff;
	[tilespmem:s22+$0xA890] =	vst v11  }
0x1bf: {  	v11 =	vld.idx.msk [tilespmem:v14+s3+$0x0], $0xffff  }
0x1c0: {  	v12 =	vld [tilespmem:s22+$0x38C0]  }
0x1c1: {  	[tilespmem:s21+$0xAC80] =	vst v1;
	v19 =	vld [tilespmem:s22+$0x3940]  }
0x1c2: {  	v1 =	vld.idx.msk [tilespmem:v4+s3+$0x0], $0xffff;
	[tilespmem:s22+$0xA920] =	vst v6  }
0x1c3: {  	[tilespmem:s21+$0xAD30] =	vst v2;
	v6 =	vld.idx.msk [tilespmem:v21+s3+$0x0], $0xffff  }
0x1c4: {  	v2 =	vld.idx.msk [tilespmem:v17+s3+$0x0], $0xffff;
	[tilespmem:s22+$0xA8A0] =	vst v11  }
0x1c5: {  	v11 =	vld.idx.msk [tilespmem:v15+s3+$0x0], $0xffff  }
0x1c6: {  	v4 =	vld [tilespmem:s21+$0x3D60]  }
0x1c7: {  	[tilespmem:s21+$0xAC90] =	vst v1;
	v17 =	vld [tilespmem:s22+$0x3950]  }
0x1c8: {  	v1 =	vld.idx.msk [tilespmem:v7+s3+$0x0], $0xffff;
	[tilespmem:s22+$0xA930] =	vst v6  }
0x1c9: {  	[tilespmem:s21+$0xAD40] =	vst v2;
	v6 =	vld.idx.msk [tilespmem:v19+s3+$0x0], $0xffff  }
0x1ca: {  	v2 =	vld.idx.msk [tilespmem:v9+s3+$0x0], $0xffff;
	[tilespmem:s22+$0xA8B0] =	vst v11  }
0x1cb: {  	v9 =	vld.idx.msk [tilespmem:v12+s3+$0x0], $0xffff  }
0x1cc: {  	v3 =	vld [tilespmem:s21+$0x3CE0]  }
0x1cd: {  	v7 =	vld [tilespmem:s22+$0x3960];
	[tilespmem:s21+$0xACA0] =	vst v1  }
0x1ce: {  	v13 =	vld [tilespmem:s22+$0x38E0];
	[tilespmem:s22+$0xA940] =	vst v6  }
0x1cf: {  	[tilespmem:s21+$0xAD50] =	vst v2;
	v2 =	vld.idx.msk [tilespmem:v17+s3+$0x0], $0xffff  }
0x1d0: {  	v5 =	vld.idx.msk [tilespmem:v5+s3+$0x0], $0xffff;
	[tilespmem:s22+$0xA8C0] =	vst v9  }
0x1d1: {  	v6 =	vld.idx.msk [tilespmem:v18+s3+$0x0], $0xffff  }
0x1d2: {  	v4 =	vld.idx.msk [tilespmem:v4+s3+$0x0], $0xffff  }
0x1d3: {  	v8 =	vld [tilespmem:s21+$0x3CD0]  }
0x1d4: {  	v1 =	vld [tilespmem:s22+$0x3970];
	[tilespmem:s22+$0xA950] =	vst v2  }
0x1d5: {  	[tilespmem:s21+$0xACB0] =	vst v5;
	v2 =	vld.idx.msk [tilespmem:v7+s3+$0x0], $0xffff  }
0x1d6: {  	v0 =	vld [tilespmem:s21+$0x3CF0];
	[tilespmem:s22+$0xA8D0] =	vst v6  }
0x1d7: {  	[tilespmem:s21+$0xAD60] =	vst v4;
	v4 =	vld.idx.msk [tilespmem:v13+s3+$0x0], $0xffff  }
0x1d8: {  	v5 =	vld.idx.msk [tilespmem:v10+s3+$0x0], $0xffff  }
0x1d9: {  	v16 =	vld [tilespmem:s22+$0x38F0]  }
0x1da: {  	[tilespmem:s22+$0xA960] =	vst v2;
	v2 =	vld [tilespmem:s22+$0x3D00]  }
0x1db: {  	v14 =	vld [tilespmem:s22+$0x3C80]  }
0x1dc: {  	[tilespmem:s22+$0xA8E0] =	vst v4;
	v4 =	vld.idx.msk [tilespmem:v1+s3+$0x0], $0xffff  }
0x1dd: {  	v15 =	vld [tilespmem:s22+$0x3C90];
	[tilespmem:s21+$0xACC0] =	vst v5  }
0x1de: {  	v5 =	vld.idx.msk [tilespmem:v8+s3+$0x0], $0xffff  }
0x1df: {  	v8 =	vld [tilespmem:s22+$0x3D10]  }
0x1e0: {  	v13 =	vld [tilespmem:s23+$0x3900]  }
0x1e1: {  	[tilespmem:s22+$0xA970] =	vst v4;
	v4 =	vld [tilespmem:s23+$0x3880]  }
0x1e2: {  	v2 =	vld.idx.msk [tilespmem:v2+s3+$0x0], $0xffff  }
0x1e3: {  	v19 =	vld [tilespmem:s23+$0x38B0]  }
0x1e4: {  	v11 =	vld [tilespmem:s21+$0x3D70]  }
0x1e5: {  	v12 =	vld [tilespmem:s22+$0x3CA0]  }
0x1e6: {  	v17 =	vld [tilespmem:s22+$0x3CB0]  }
0x1e7: {  	v18 =	vld [tilespmem:s23+$0x38A0];
	[tilespmem:s22+$0xAD00] =	vst v2  }
0x1e8: {  	v2 =	vld.idx.msk [tilespmem:v8+s3+$0x0], $0xffff  }
0x1e9: {  	v8 =	vld.idx.msk [tilespmem:v13+s3+$0x0], $0xffff  }
0x1ea: {  	v4 =	vld.idx.msk [tilespmem:v4+s3+$0x0], $0xffff  }
0x1eb: {  	v10 =	vld.idx.msk [tilespmem:v16+s3+$0x0], $0xffff  }
0x1ec: {  	v16 =	vld [tilespmem:s23+$0x3890]  }
0x1ed: {  	v7 =	vld [tilespmem:s22+$0x3CC0]  }
0x1ee: {  	v9 =	vld.idx.msk [tilespmem:v11+s3+$0x0], $0xffff;
	[tilespmem:s23+$0xA900] =	vst v8  }
0x1ef: {  	[tilespmem:s23+$0xA880] =	vst v4;
	v4 =	vld.idx.msk [tilespmem:v45+s3+$0x0], $0xffff  }
0x1f0: {  	v11 =	vld [tilespmem:s22+$0x3CE0];
	[tilespmem:s22+$0xA8F0] =	vst v10  }
0x1f1: {  	v14 =	vld.idx.msk [tilespmem:v14+s3+$0x0], $0xffff;
	[tilespmem:s22+$0xAD10] =	vst v2  }
0x1f2: {  	v2 =	vld.idx.msk [tilespmem:v44+s3+$0x0], $0xffff  }
0x1f3: {  	v6 =	vld [tilespmem:s22+$0x3CD0]  }
0x1f4: {  	v8 =	vld.idx.msk [tilespmem:v16+s3+$0x0], $0xffff;
	[tilespmem:s23+$0xA910] =	vst v4  }
0x1f5: {  	[tilespmem:s21+$0xAD70] =	vst v9;
	v4 =	vld.idx.msk [tilespmem:v24+s3+$0x0], $0xffff  }
0x1f6: {  	v9 =	vld [tilespmem:s24+$0x3CE0];
	[tilespmem:s22+$0xAC80] =	vst v14  }
0x1f7: {  	v14 =	vld.idx.msk [tilespmem:v15+s3+$0x0], $0xffff;
	[tilespmem:s22+$0xAD20] =	vst v2  }
0x1f8: {  	v2 =	vld.idx.msk [tilespmem:v23+s3+$0x0], $0xffff  }
0x1f9: {  	v1 =	vld [tilespmem:s22+$0x3CF0];
	[tilespmem:s23+$0xA890] =	vst v8  }
0x1fa: {  	v8 =	vld.idx.msk [tilespmem:v18+s3+$0x0], $0xffff;
	[tilespmem:s23+$0xA920] =	vst v4  }
0x1fb: {  	v4 =	vld.idx.msk [tilespmem:v25+s3+$0x0], $0xffff  }
0x1fc: {  	[tilespmem:s22+$0xAC90] =	vst v14;
	v18 =	vld [tilespmem:s22+$0x3D50]  }
0x1fd: {  	v12 =	vld.idx.msk [tilespmem:v12+s3+$0x0], $0xffff;
	[tilespmem:s22+$0xAD30] =	vst v2  }
0x1fe: {  	v2 =	vld.idx.msk [tilespmem:v47+s3+$0x0], $0xffff  }
0x1ff: {  	v10 =	vld [tilespmem:s23+$0x3C80]  }
0x200: {  	v13 =	vld [tilespmem:s23+$0x38C0];
	[tilespmem:s23+$0xA930] =	vst v4  }
0x201: {  	v4 =	vld.idx.msk [tilespmem:v48+s3+$0x0], $0xffff  }
0x202: {  	v15 =	vld [tilespmem:s22+$0x3D60];
	[tilespmem:s22+$0xACA0] =	vst v12  }
0x203: {  	v12 =	vld.idx.msk [tilespmem:v17+s3+$0x0], $0xffff;
	[tilespmem:s22+$0xAD40] =	vst v2  }
0x204: {  	v2 =	vld.idx.msk [tilespmem:v18+s3+$0x0], $0xffff  }
0x205: {  	v18 =	vld [tilespmem:s23+$0x3960]  }
0x206: {  	v14 =	vld [tilespmem:s22+$0x3D70];
	[tilespmem:s23+$0xA940] =	vst v4  }
0x207: {  	[tilespmem:s23+$0xA8A0] =	vst v8;
	v4 =	vld.idx.msk [tilespmem:v49+s3+$0x0], $0xffff  }
0x208: {  	[tilespmem:s22+$0xACB0] =	vst v12;
	v8 =	vld.idx.msk [tilespmem:v19+s3+$0x0], $0xffff  }
0x209: {  	v7 =	vld.idx.msk [tilespmem:v7+s3+$0x0], $0xffff  }
0x20a: {  	v16 =	vld [tilespmem:s23+$0x38E0]  }
0x20b: {  	v17 =	vld [tilespmem:s23+$0x3970]  }
0x20c: {  	v19 =	vld [tilespmem:s23+$0x3C90];
	[tilespmem:s23+$0xA950] =	vst v4  }
0x20d: {  	[tilespmem:s23+$0xA8B0] =	vst v8;
	v4 =	vld.idx.msk [tilespmem:v18+s3+$0x0], $0xffff  }
0x20e: {  	[tilespmem:s22+$0xACC0] =	vst v7;
	v7 =	vld [tilespmem:s24+$0x3900]  }
0x20f: {  	v8 =	vld.idx.msk [tilespmem:v13+s3+$0x0], $0xffff  }
0x210: {  	v13 =	vld [tilespmem:s23+$0x3CA0]  }
0x211: {  	v12 =	vld.idx.msk [tilespmem:v6+s3+$0x0], $0xffff  }
0x212: {  	[tilespmem:s23+$0xA960] =	vst v4;
	v4 =	vld [tilespmem:s23+$0x3D00]  }
0x213: {  	[tilespmem:s21+$0xACD0] =	vst v5;
	v6 =	vld [tilespmem:s23+$0x3D10]  }
0x214: {  	[tilespmem:s22+$0xAD50] =	vst v2;
	v5 =	vld.idx.msk [tilespmem:v17+s3+$0x0], $0xffff  }
0x215: {  	v2 =	vld.idx.msk [tilespmem:v15+s3+$0x0], $0xffff  }
0x216: {  	[tilespmem:s23+$0xA8C0] =	vst v8;
	v15 =	vld [tilespmem:s23+$0x3CB0]  }
0x217: {  	[tilespmem:s22+$0xACD0] =	vst v12;
	v8 =	vld.idx.msk [tilespmem:v22+s3+$0x0], $0xffff  }
0x218: {  	v12 =	vld.idx.msk [tilespmem:v11+s3+$0x0], $0xffff  }
0x219: {  	[tilespmem:s23+$0xA970] =	vst v5;
	v5 =	vld [tilespmem:s24+$0x3880]  }
0x21a: {  	v4 =	vld.idx.msk [tilespmem:v4+s3+$0x0], $0xffff  }
0x21b: {  	v11 =	vld [tilespmem:s24+$0x3CF0];
	[tilespmem:s22+$0xAD60] =	vst v2  }
0x21c: {  	v2 =	vld [tilespmem:s23+$0x3CE0];
	[tilespmem:s23+$0xA8D0] =	vst v8  }
0x21d: {  	v8 =	vld.idx.msk [tilespmem:v16+s3+$0x0], $0xffff  }
0x21e: {  	v14 =	vld.idx.msk [tilespmem:v14+s3+$0x0], $0xffff  }
0x21f: {  	v17 =	vld [tilespmem:s24+$0x3890];
	[tilespmem:s23+$0xAD00] =	vst v4  }
0x220: {  	v4 =	vld.idx.msk [tilespmem:v6+s3+$0x0], $0xffff  }
0x221: {  	v6 =	vld.idx.msk [tilespmem:v7+s3+$0x0], $0xffff  }
0x222: {  	[tilespmem:s23+$0xA8E0] =	vst v8;
	v5 =	vld.idx.msk [tilespmem:v5+s3+$0x0], $0xffff  }
0x223: {  	v8 =	vld.idx.msk [tilespmem:v46+s3+$0x0], $0xffff  }
0x224: {  	v18 =	vld [tilespmem:s23+$0x3CD0]  }
0x225: {  	v16 =	vld.idx.msk [tilespmem:v3+s3+$0x0], $0xffff;
	[tilespmem:s23+$0xAD10] =	vst v4  }
0x226: {  	[tilespmem:s24+$0xA900] =	vst v6;
	v4 =	vld.idx.msk [tilespmem:v53+s3+$0x0], $0xffff  }
0x227: {  	[tilespmem:s24+$0xA880] =	vst v5;
	v5 =	vld.idx.msk [tilespmem:v54+s3+$0x0], $0xffff  }
0x228: {  	[tilespmem:s23+$0xA8F0] =	vst v8;
	v6 =	vld.idx.msk [tilespmem:v17+s3+$0x0], $0xffff  }
0x229: {  	v8 =	vld.idx.msk [tilespmem:v10+s3+$0x0], $0xffff  }
0x22a: {  	v3 =	vld [tilespmem:s23+$0x3CF0];
	[tilespmem:s22+$0xAD70] =	vst v14  }
0x22b: {  	v14 =	vld [tilespmem:s24+$0x3D00];
	[tilespmem:s23+$0xAD20] =	vst v4  }
0x22c: {  	[tilespmem:s24+$0xA910] =	vst v5;
	v5 =	vld.idx.msk [tilespmem:v26+s3+$0x0], $0xffff  }
0x22d: {  	[tilespmem:s24+$0xA890] =	vst v6;
	v6 =	vld.idx.msk [tilespmem:v27+s3+$0x0], $0xffff  }
0x22e: {  	[tilespmem:s23+$0xAC80] =	vst v8;
	v20 =	vld.idx.msk [tilespmem:v51+s3+$0x0], $0xffff  }
0x22f: {  	v19 =	vld.idx.msk [tilespmem:v19+s3+$0x0], $0xffff  }
0x230: {  	v10 =	vld [tilespmem:s23+$0x3D50]  }
0x231: {  	[tilespmem:s23+$0xAD30] =	vst v5;
	v5 =	vld [tilespmem:s24+$0x3940]  }
0x232: {  	v7 =	vld [tilespmem:s24+$0x38C0];
	[tilespmem:s24+$0xA920] =	vst v6  }
0x233: {  	[tilespmem:s24+$0xA8A0] =	vst v20;
	v58 =	vld.idx.msk [tilespmem:v28+s3+$0x0], $0xffff  }
0x234: {  	[tilespmem:s23+$0xAC90] =	vst v19;
	v22 =	vld.idx.msk [tilespmem:v52+s3+$0x0], $0xffff  }
0x235: {  	v13 =	vld.idx.msk [tilespmem:v13+s3+$0x0], $0xffff  }
0x236: {  	v24 =	vld.idx.msk [tilespmem:v57+s3+$0x0], $0xffff  }
0x237: {  	v8 =	vld [tilespmem:s24+$0x3CA0]  }
0x238: {  	v19 =	vld [tilespmem:s23+$0x3D70];
	[tilespmem:s24+$0xA930] =	vst v58  }
0x239: {  	[tilespmem:s24+$0xA8B0] =	vst v22;
	v5 =	vld.idx.msk [tilespmem:v5+s3+$0x0], $0xffff  }
0x23a: {  	[tilespmem:s23+$0xACA0] =	vst v13;
	v7 =	vld.idx.msk [tilespmem:v7+s3+$0x0], $0xffff  }
0x23b: {  	v13 =	vld.idx.msk [tilespmem:v15+s3+$0x0], $0xffff;
	[tilespmem:s23+$0xAD40] =	vst v24  }
0x23c: {  	v10 =	vld.idx.msk [tilespmem:v10+s3+$0x0], $0xffff  }
0x23d: {  	v17 =	vld [tilespmem:s24+$0x38E0]  }
0x23e: {  	v4 =	vld [tilespmem:s24+$0x3C80];
	[tilespmem:s24+$0xA940] =	vst v5  }
0x23f: {  	[tilespmem:s24+$0xA8C0] =	vst v7;
	v7 =	vld.idx.msk [tilespmem:v60+s3+$0x0], $0xffff  }
0x240: {  	[tilespmem:s23+$0xACB0] =	vst v13;
	v63 =	vld.idx.msk [tilespmem:v55+s3+$0x0], $0xffff  }
0x241: {  	v13 =	vld.idx.msk [tilespmem:v50+s3+$0x0], $0xffff;
	[tilespmem:s23+$0xAD50] =	vst v10  }
0x242: {  	v62 =	vld.idx.msk [tilespmem:v59+s3+$0x0], $0xffff  }
0x243: {  	v15 =	vld [tilespmem:s24+$0x3970]  }
0x244: {  	v6 =	vld [tilespmem:s24+$0x3C90];
	[tilespmem:s24+$0xA950] =	vst v7  }
0x245: {  	[tilespmem:s24+$0xA8D0] =	vst v63;
	v20 =	vld.idx.msk [tilespmem:v61+s3+$0x0], $0xffff  }
0x246: {  	[tilespmem:s23+$0xACC0] =	vst v13;
	v17 =	vld.idx.msk [tilespmem:v17+s3+$0x0], $0xffff  }
0x247: {  	v13 =	vld.idx.msk [tilespmem:v18+s3+$0x0], $0xffff;
	[tilespmem:s23+$0xAD60] =	vst v62  }
0x248: {  	v19 =	vld.idx.msk [tilespmem:v19+s3+$0x0], $0xffff  }
0x249: {  	v10 =	vld [tilespmem:s24+$0x3CB0]  }
0x24a: {  	v5 =	vld [tilespmem:s24+$0x3CC0];
	[tilespmem:s24+$0xA960] =	vst v20  }
0x24b: {  	[tilespmem:s24+$0xA8E0] =	vst v17;
	v15 =	vld.idx.msk [tilespmem:v15+s3+$0x0], $0xffff  }
0x24c: {  	[tilespmem:s21+$0xACE0] =	vst v16;
	v16 =	vld.idx.msk [tilespmem:v56+s3+$0x0], $0xffff  }
0x24d: {  	s28 =	simm.s32 $0x800;
	s26 =	simm.s32 $0x400;
	s25 =	simm.s32 $0x6;
	v7 =	vld [tilespmem:s24+$0x3CD0];
	[tilespmem:s23+$0xAD70] =	vst v19  }
.LBB2_4:
0x24e: {  	s29 =	sand.u32 $0x3800, s28;
	s30 =	sand.u32 $0x300, s26;
	[tilespmem:s22+$0xACE0] =	vst v12;
	v12 =	vld.idx.msk [tilespmem:v0+s3+$0x0], $0xffff;
	v0 =	vmov v1;
	v1 =	vmov v3  }
0x24f: {  	s25 =	sadd.s32 $0x2, s25;
	s29 =	sor.u32 s30, s29;
	v17 =	vld [tilespmem:s24+$0x3D10]  }
0x250: {  	p0 =	slt.u32 s25, $0x30;
	v18 =	vld [tilespmem:s29+$0x3900];
	[tilespmem:s24+$0xA970] =	vst v15  }
0x251: {  	[tilespmem:s24+$0xA8F0] =	vst v16;
	v14 =	vld.idx.msk [tilespmem:v14+s3+$0x0], $0xffff;
	v3 =	vmov v11  }
0x252: {  	v11 =	vld [tilespmem:s29+$0x3880]  }
0x253: {  	v15 =	vld [tilespmem:s29+$0x3890];
	[tilespmem:s23+$0xACD0] =	vst v13  }
0x254: {  	v13 =	vld [tilespmem:s29+$0x38A0];
	[tilespmem:s21+$0xACF0] =	vst v12;
	s21 =	smov.u32 s22;
	s22 =	smov.u32 s23;
	s23 =	smov.u32 s24  }
0x255: {  	s24 =	smov.u32 s29;
	v12 =	vld [tilespmem:s29+$0x38B0]  }
0x256: {  	v16 =	vld [tilespmem:s23+$0x3D20]  }
0x257: {  	v19 =	vld [tilespmem:s24+$0x3910];
	[tilespmem:s23+$0xAD00] =	vst v14  }
0x258: {  	v14 =	vld.idx.msk [tilespmem:v17+s3+$0x0], $0xffff  }
0x259: {  	v17 =	vld.idx.msk [tilespmem:v18+s3+$0x0], $0xffff  }
0x25a: {  	v11 =	vld.idx.msk [tilespmem:v11+s3+$0x0], $0xffff  }
0x25b: {  	v18 =	vld [tilespmem:s24+$0x38C0]  }
0x25c: {  	v20 =	vld [tilespmem:s24+$0x38D0]  }
0x25d: {  	v21 =	vld [tilespmem:s23+$0x3D30]  }
0x25e: {  	v22 =	vld [tilespmem:s24+$0x3920];
	[tilespmem:s23+$0xAD10] =	vst v14  }
0x25f: {  	[tilespmem:s24+$0xA900] =	vst v17;
	v14 =	vld.idx.msk [tilespmem:v16+s3+$0x0], $0xffff  }
0x260: {  	[tilespmem:s24+$0xA880] =	vst v11;
	v11 =	vld.idx.msk [tilespmem:v19+s3+$0x0], $0xffff  }
0x261: {  	v15 =	vld.idx.msk [tilespmem:v15+s3+$0x0], $0xffff  }
0x262: {  	v16 =	vld [tilespmem:s24+$0x38E0]  }
0x263: {  	v17 =	vld [tilespmem:s24+$0x38F0]  }
0x264: {  	v19 =	vld [tilespmem:s23+$0x3D40]  }
0x265: {  	v23 =	vld [tilespmem:s24+$0x3930];
	[tilespmem:s23+$0xAD20] =	vst v14  }
0x266: {  	[tilespmem:s24+$0xA910] =	vst v11;
	v11 =	vld.idx.msk [tilespmem:v21+s3+$0x0], $0xffff  }
0x267: {  	[tilespmem:s24+$0xA890] =	vst v15;
	v14 =	vld.idx.msk [tilespmem:v22+s3+$0x0], $0xffff  }
0x268: {  	v13 =	vld.idx.msk [tilespmem:v13+s3+$0x0], $0xffff  }
0x269: {  	v15 =	vld [tilespmem:s24+$0x3C80]  }
0x26a: {  	v21 =	vld.idx.msk [tilespmem:v4+s3+$0x0], $0xffff  }
0x26b: {  	v22 =	vld [tilespmem:s23+$0x3D50]  }
0x26c: {  	v24 =	vld [tilespmem:s24+$0x3940];
	[tilespmem:s23+$0xAD30] =	vst v11  }
0x26d: {  	[tilespmem:s24+$0xA920] =	vst v14;
	v11 =	vld.idx.msk [tilespmem:v19+s3+$0x0], $0xffff  }
0x26e: {  	[tilespmem:s24+$0xA8A0] =	vst v13;
	v13 =	vld.idx.msk [tilespmem:v23+s3+$0x0], $0xffff;
	v4 =	vmov v15  }
0x26f: {  	v12 =	vld.idx.msk [tilespmem:v12+s3+$0x0], $0xffff  }
0x270: {  	v14 =	vld [tilespmem:s24+$0x3C90];
	[tilespmem:s23+$0xAC80] =	vst v21  }
0x271: {  	v15 =	vld.idx.msk [tilespmem:v6+s3+$0x0], $0xffff  }
0x272: {  	v19 =	vld [tilespmem:s23+$0x3D60]  }
0x273: {  	v21 =	vld [tilespmem:s24+$0x3950];
	[tilespmem:s23+$0xAD40] =	vst v11  }
0x274: {  	[tilespmem:s24+$0xA930] =	vst v13;
	v11 =	vld.idx.msk [tilespmem:v22+s3+$0x0], $0xffff  }
0x275: {  	[tilespmem:s24+$0xA8B0] =	vst v12;
	v12 =	vld.idx.msk [tilespmem:v24+s3+$0x0], $0xffff;
	v6 =	vmov v14  }
0x276: {  	v13 =	vld.idx.msk [tilespmem:v18+s3+$0x0], $0xffff  }
0x277: {  	v14 =	vld [tilespmem:s24+$0x3CA0];
	[tilespmem:s23+$0xAC90] =	vst v15  }
0x278: {  	v15 =	vld.idx.msk [tilespmem:v8+s3+$0x0], $0xffff  }
0x279: {  	v18 =	vld [tilespmem:s23+$0x3D70]  }
0x27a: {  	v22 =	vld [tilespmem:s24+$0x3960];
	[tilespmem:s23+$0xAD50] =	vst v11  }
0x27b: {  	[tilespmem:s24+$0xA940] =	vst v12;
	v11 =	vld.idx.msk [tilespmem:v19+s3+$0x0], $0xffff  }
0x27c: {  	[tilespmem:s24+$0xA8C0] =	vst v13;
	v12 =	vld.idx.msk [tilespmem:v21+s3+$0x0], $0xffff;
	v8 =	vmov v14  }
0x27d: {  	v13 =	vld.idx.msk [tilespmem:v20+s3+$0x0], $0xffff  }
0x27e: {  	v14 =	vld [tilespmem:s24+$0x3CB0];
	[tilespmem:s23+$0xACA0] =	vst v15  }
0x27f: {  	v15 =	vld.idx.msk [tilespmem:v10+s3+$0x0], $0xffff  }
0x280: {  	v19 =	vld [tilespmem:s24+$0x3CC0]  }
0x281: {  	v20 =	vld [tilespmem:s24+$0x3970];
	[tilespmem:s23+$0xAD60] =	vst v11  }
0x282: {  	[tilespmem:s24+$0xA950] =	vst v12;
	v11 =	vld.idx.msk [tilespmem:v18+s3+$0x0], $0xffff  }
0x283: {  	[tilespmem:s24+$0xA8D0] =	vst v13;
	v13 =	vld.idx.msk [tilespmem:v22+s3+$0x0], $0xffff;
	v10 =	vmov v14  }
0x284: {  	v16 =	vld.idx.msk [tilespmem:v16+s3+$0x0], $0xffff  }
0x285: {  	v18 =	vld [tilespmem:s24+$0x3CD0];
	[tilespmem:s23+$0xACB0] =	vst v15  }
0x286: {  	v21 =	vld.idx.msk [tilespmem:v5+s3+$0x0], $0xffff;
	v5 =	vmov v19  }
0x287: {  	v19 =	vld [tilespmem:s24+$0x3CE0]  }
0x288: {  	[tilespmem:s23+$0xAD70] =	vst v11;
	v12 =	vld.idx.msk [tilespmem:v2+s3+$0x0], $0xffff;
	v2 =	vmov v9  }
.Ltmp1:
0x289: {  	[tilespmem:s24+$0xA960] =	vst v13;
	v14 =	vld [tilespmem:s24+$0x3D00];
	(pc) =	sbr.rel @p0 .LBB2_4-.Ltmp1, $4  }
0x28a: {  	[tilespmem:s24+$0xA8E0] =	vst v16;
	v15 =	vld.idx.msk [tilespmem:v20+s3+$0x0], $0xffff  }
0x28b: {  	v16 =	vld.idx.msk [tilespmem:v17+s3+$0x0], $0xffff  }
0x28c: {  	v11 =	vld [tilespmem:s24+$0x3CF0];
	[tilespmem:s23+$0xACC0] =	vst v21;
	v9 =	vmov v19  }
0x28d: {  	s26 =	sadd.s32 $0x100, s26;
	s28 =	sadd.s32 $0x200, s28;
	v13 =	vld.idx.msk [tilespmem:v7+s3+$0x0], $0xffff;
	v7 =	vmov v18  }
0x28e: {  	_ =	sdelay $0x1  }
0x28f: {  	v17 =	vld [tilespmem:s24+$0x3D10]  }
0x290: {  	[tilespmem:s24+$0xA970] =	vst v15  }
0x291: {  	v14 =	vld.idx.msk [tilespmem:v14+s3+$0x0], $0xffff;
	[tilespmem:s24+$0xA8F0] =	vst v16  }
0x292: {  	v4 =	vld.idx.msk [tilespmem:v4+s3+$0x0], $0xffff;
	_ =	sdelay $0x2  }
0x293: {  	v57 =	vld [tilespmem:s24+$0x3D20]  }
0x294: {  	[tilespmem:s24+$0xAD00] =	vst v14  }
0x295: {  	v14 =	vld.idx.msk [tilespmem:v17+s3+$0x0], $0xffff;
	[tilespmem:s24+$0xAC80] =	vst v4  }
0x296: {  	v4 =	vld.idx.msk [tilespmem:v6+s3+$0x0], $0xffff;
	_ =	sdelay $0x2  }
0x297: {  	v58 =	vld [tilespmem:s24+$0x3D30]  }
0x298: {  	[tilespmem:s24+$0xAD10] =	vst v14  }
0x299: {  	v14 =	vld.idx.msk [tilespmem:v57+s3+$0x0], $0xffff;
	[tilespmem:s24+$0xAC90] =	vst v4  }
0x29a: {  	v4 =	vld.idx.msk [tilespmem:v8+s3+$0x0], $0xffff;
	_ =	sdelay $0x2  }
0x29b: {  	v59 =	vld [tilespmem:s24+$0x3D40]  }
0x29c: {  	[tilespmem:s24+$0xAD20] =	vst v14  }
0x29d: {  	v6 =	vld.idx.msk [tilespmem:v58+s3+$0x0], $0xffff;
	[tilespmem:s24+$0xACA0] =	vst v4  }
0x29e: {  	v4 =	vld.idx.msk [tilespmem:v10+s3+$0x0], $0xffff;
	_ =	sdelay $0x2  }
0x29f: {  	v60 =	vld [tilespmem:s24+$0x3D50]  }
0x2a0: {  	[tilespmem:s24+$0xAD30] =	vst v6  }
0x2a1: {  	v6 =	vld.idx.msk [tilespmem:v59+s3+$0x0], $0xffff;
	[tilespmem:s24+$0xACB0] =	vst v4  }
0x2a2: {  	v4 =	vld.idx.msk [tilespmem:v5+s3+$0x0], $0xffff;
	_ =	sdelay $0x2  }
0x2a3: {  	v61 =	vld [tilespmem:s24+$0x3D60]  }
0x2a4: {  	[tilespmem:s24+$0xAD40] =	vst v6  }
0x2a5: {  	v6 =	vld.idx.msk [tilespmem:v60+s3+$0x0], $0xffff;
	[tilespmem:s24+$0xACC0] =	vst v4  }
0x2a6: {  	v4 =	vld.idx.msk [tilespmem:v7+s3+$0x0], $0xffff;
	_ =	sdelay $0x2  }
0x2a7: {  	v62 =	vld [tilespmem:s24+$0x3D70];
	[tilespmem:s23+$0xACD0] =	vst v13  }
0x2a8: {  	v2 =	vld.idx.msk [tilespmem:v2+s3+$0x0], $0xffff;
	[tilespmem:s24+$0xAD50] =	vst v6  }
0x2a9: {  	v5 =	vld.idx.msk [tilespmem:v61+s3+$0x0], $0xffff;
	[tilespmem:s24+$0xACD0] =	vst v4  }
0x2aa: {  	v4 =	vld.idx.msk [tilespmem:v9+s3+$0x0], $0xffff;
	_ =	sdelay $0x1  }
0x2ab: {  	v0 =	vld.idx.msk [tilespmem:v0+s3+$0x0], $0xffff;
	[tilespmem:s22+$0xACE0] =	vst v12  }
0x2ac: {  	v1 =	vld.idx.msk [tilespmem:v1+s3+$0x0], $0xffff;
	[tilespmem:s23+$0xACE0] =	vst v2  }
0x2ad: {  	v2 =	vld.idx.msk [tilespmem:v3+s3+$0x0], $0xffff;
	[tilespmem:s24+$0xAD60] =	vst v5  }
0x2ae: {  	v5 =	vld.idx.msk [tilespmem:v62+s3+$0x0], $0xffff;
	[tilespmem:s24+$0xACE0] =	vst v4  }
0x2af: {  	v63 =	vld.idx.msk [tilespmem:v11+s3+$0x0], $0xffff  }
0x2b0: {  	[tilespmem:s21+$0xACF0] =	vst v0  }
0x2b1: {  	[tilespmem:s22+$0xACF0] =	vst v1  }
0x2b2: {  	[tilespmem:s23+$0xACF0] =	vst v2  }
0x2b3: {  	[tilespmem:s24+$0xAD70] =	vst v5  }
0x2b4: {  	s20 =	sadd.s32 $0x1, s20;
	[tilespmem:s24+$0xACF0] =	vst v63  }
0x2b5: {  	[hbm4b:s7+s9] =	stream.strided.scatter [tilespmem:s17], [sflag:$0x4], $0x3800, s10, s9, $0x38;
	[tilespmem:$0xE080] =	vst v63  }
0x2b6: {  	p0 =	sne.s32 s20, s8;
	_ =	swait.ge [sflag:s18], $0x3800  }
.Ltmp2:
0x2b7: {  	[sflag:s18] =	ssyncset.done $0x0;
	(pc) =	sbr.rel @p0 .LBB2_1-.Ltmp2, $4  }
0x2b8: {  	[sflag:s18] =	ssyncadd.s32 $0xFFFFC800  }
0x2b9: {  	_ =	swait.ge [sflag:s19], $0x3800  }
0x2ba: {  	[sflag:s19] =	ssyncset.done $0x0  }
0x2bb: {  	[sflag:s19] =	ssyncadd.s32 $0xFFFFC800  }
0x2bc: {  	_ =	sfence.sel $0x180000  }
0x2bd: {  	[bflag:$0x0] =	sbarrier.arrive $0xFFFF  }
0x2be: {  	p0 =	sne.s32 s1, $0x0;
	_ =	strace $0x90000047  }
0x2bf: {  	s0 =	sadd.s32 @!p0 $0x100000, s0;
	[bflag:$0x2] =	sbarrier.arrive $0xFFFF  }
0x2c0: {  	[sflag:s0] =	ssyncadd.tile.s32 @!p0 $0x1;
	_ =	shalt  }
.Lfunc_end2:
_tile_overlayer_lowered:
.L_overlay_start_2:
0x2c1: {  	(tag) =	ssettag $0x2  }
0x2c2: {  	s0 =	rddreg [dreg:$0x0];
	s2 =	stileid.u32  }
0x2c3: {  	s1 =	rddreg [dreg:$0x1];
	p0 =	sne.s32 s2, $0x0  }
0x2c4: {  	s3 =	rddreg [dreg:$0x2];
	[bflag:$0x3] =	sbarrier.arrive $0xFFFF;
	s2 =	simm.s32 @!p0 $0x1C05  }
0x2c5: {  	[timem:s3], [sflag:s2] =	dma.local @!p0 [hbm:s0], s1  }
0x2c6: {  	s0 =	simm.s32 @!p0 $0x5  }
0x2c7: {  	_ =	swait.ge @!p0 [sflag:s0], s1  }
0x2c8: {  	s1 =	ssub.s32 @!p0 $0x0, s1;
	[sflag:s0] =	ssyncset.done @!p0 $0x0  }
0x2c9: {  	[sflag:s0] =	ssyncadd.s32 @!p0 s1  }
0x2ca: {  	[bflag:$0x3] =	sbarrier.arrive $0xFFFF  }
0x2cb: {  	_ =	shalt  }

</sc_bundles>
